<compile_context>
chip_gen: v7x
topology: tpu7x:2x2x1
jax: 0.10.2.dev20260603
libtpu: 0.0.44.dev20260713+nightly
codegen_flags: <defaults>
</compile_context>

<pallas_src>
import functools

import jax
import jax.numpy as jnp
from jax import lax
from jax.experimental import pallas as pl
from jax.experimental.pallas import tpu as pltpu
from jax.experimental.pallas import tpu_sc as plsc

_NUM_CORES = 2
_NUM_SUBCORES = 16
_NW = _NUM_CORES * _NUM_SUBCORES

_CHUNK = 32


_NBUF = 3


@functools.partial(jax.jit, static_argnames=())
def _embed_lookup(flat_pos, table):
    B = flat_pos.shape[0]
    V, D = table.shape
    b_per_w = B // _NW
    n_chunks = b_per_w // _CHUNK

    mesh = plsc.VectorSubcoreMesh(core_axis_name="c", subcore_axis_name="s")

    @functools.partial(
        pl.kernel,
        out_type=jax.ShapeDtypeStruct((B, D), jnp.float32),
        mesh=mesh,
        scratch_types=[
            pltpu.VMEM((b_per_w,), jnp.int32),
            pltpu.VMEM((_NBUF, _CHUNK, D), jnp.float32),
        ]
        + [pltpu.SemaphoreType.DMA] * (2 * _NBUF),
    )
    def k(pos_hbm, table_hbm, out_hbm, idx_v, rows_v, *sems):
        wid = lax.axis_index("s") * _NUM_CORES + lax.axis_index("c")
        base = wid * b_per_w
        sem_in = sems[:_NBUF]
        sem_out = sems[_NBUF:]
        pltpu.sync_copy(pos_hbm.at[pl.ds(base, b_per_w)], idx_v)

        def fire_in(b, ci):
            pltpu.async_copy(
                table_hbm.at[idx_v.at[pl.ds(ci * _CHUNK, _CHUNK)]],
                rows_v.at[b],
                sem_in[b],
            )

        def wait_in(b, ci):
            pltpu.make_async_copy(
                table_hbm.at[idx_v.at[pl.ds(ci * _CHUNK, _CHUNK)]],
                rows_v.at[b],
                sem_in[b],
            ).wait()

        def fire_out(b, ci):
            pltpu.async_copy(
                rows_v.at[b],
                out_hbm.at[pl.ds(base + ci * _CHUNK, _CHUNK)],
                sem_out[b],
            )

        def wait_out(b, ci):
            pltpu.make_async_copy(
                rows_v.at[b],
                out_hbm.at[pl.ds(base + ci * _CHUNK, _CHUNK)],
                sem_out[b],
            ).wait()

        def step(ci, b, bp, fire_next):
            if fire_next:
                wait_out(bp, ci - 1)
                fire_in(bp, ci + _NBUF - 1)
            wait_in(b, ci)
            fire_out(b, ci)

        for b in range(_NBUF):
            fire_in(b, b)
        step(0, 0, None, False)

        last_fire = n_chunks - _NBUF
        n_main = ((last_fire - 1 + 1) // _NBUF) * _NBUF
        def body(o, carry):
            for j in range(_NBUF):
                ci = 1 + _NBUF * o + j
                step(ci, (1 + j) % _NBUF, j % _NBUF, True)
            return carry

        lax.fori_loop(0, n_main // _NBUF, body, 0)

        for ci in range(1 + n_main, n_chunks):
            step(ci, ci % _NBUF, (ci - 1) % _NBUF, ci <= last_fire)
        for ci in range(n_chunks - _NBUF, n_chunks):
            wait_out(ci % _NBUF, ci)

    return k(flat_pos, table)


def _tc_probe(table):
    def body(t_ref, o_ref):
        @pl.when(pl.program_id(0) == 0)
        def _():
            o_ref[...] = jnp.zeros_like(o_ref)
        o_ref[...] += jnp.sum(t_ref[...], axis=0, keepdims=True)[:, :128]

    return pl.pallas_call(
        body,
        grid=(64,),
        in_specs=[pl.BlockSpec((128, 1024), lambda i: (i, 0))],
        out_specs=pl.BlockSpec((1, 128), lambda i: (0, 0)),
        out_shape=jax.ShapeDtypeStruct((1, 128), jnp.float32),
    )(table)


def kernel(positions, table):
    flat = positions.reshape(-1).astype(jnp.int32)
    out = _embed_lookup(flat, table)
    dummy = _tc_probe(table)
    out = out.at[0, 0].add(dummy[0, 0] * 0.0)
    return out.reshape(positions.shape + (table.shape[1],))

# --- scband reference (transcript-rebuilt; emitter-appended) ---
"""Pipeline reference for scband-positional-embedding-35828617183245 (READ-ONLY COPY).

The authoritative reference and input builder live on the scoring server;
editing this copy changes nothing except your own understanding.
"""

import jax, jax.numpy as jnp
import numpy as np

MAX_SEQ_LEN = 8192
EMBED_DIM = 1024

def setup_inputs(seed: int = 0) -> dict:
    key = jax.random.key(seed)
    k1, k2 = jax.random.split(key)
    positions = jax.random.randint(k1, (4, 8192), 0, MAX_SEQ_LEN, dtype=jnp.int64 if jax.config.jax_enable_x64 else jnp.int32)
    table = jax.random.normal(k2, (MAX_SEQ_LEN, EMBED_DIM), dtype=jnp.float32)
    return {"positions": positions, "table": table}

def reference(positions, table):
    # nn.Embedding forward: gather rows of the table by index
    return jnp.take(table, positions, axis=0)

if __name__ == "__main__":
    import jax
    _d = setup_inputs()
    print(jax.jit(kernel)(*tuple(_d.values())))

</pallas_src>

<mosaic_0001>
#map = affine_map<(d0, d1) -> (0)>
#map1 = affine_map<(d0, d1) -> (0, 0)>
module attributes {stable_mosaic.version = 14 : i64} {
  func.func @k(%arg0: i32, %arg1: i32, %arg2: memref<32768xi32, #tpu.memory_space<hbm>>, %arg3: memref<8192x1024xf32, #tpu.memory_space<hbm>>, %arg4: memref<32768x1024xf32, #tpu.memory_space<hbm>>, %arg5: memref<1024xi32, #tpu.memory_space<vmem>>, %arg6: memref<3x32x1024xf32, #tpu.memory_space<vmem>>, %arg7: memref<!tpu.dma_semaphore, #tpu.memory_space<semaphore_mem>>, %arg8: memref<!tpu.dma_semaphore, #tpu.memory_space<semaphore_mem>>, %arg9: memref<!tpu.dma_semaphore, #tpu.memory_space<semaphore_mem>>, %arg10: memref<!tpu.dma_semaphore, #tpu.memory_space<semaphore_mem>>, %arg11: memref<!tpu.dma_semaphore, #tpu.memory_space<semaphore_mem>>, %arg12: memref<!tpu.dma_semaphore, #tpu.memory_space<semaphore_mem>>) attributes {dimension_semantics = [#tpu.dimension_semantics<core_parallel>, #tpu.dimension_semantics<subcore_parallel>], iteration_bounds = array<i64: 2, 16>, scalar_prefetch = 0 : i64, scratch_operands = 8 : i64, tpu.core_type = #tpu.core_type<sc_vector_subcore>, window_params = [{transform_indices = #map}, {transform_indices = #map1}, {transform_indices = #map1}]} {
    %mul3A = arith.constant 2 : i32
    %mul3A_0 = arith.muli %arg1, %mul3A : i32
    %add3A = arith.addi %mul3A_0, %arg0 : i32
    %mul3A_1 = arith.constant 1024 : i32
    %mul3A_2 = arith.muli %add3A, %mul3A_1 : i32
    "tpu.region"() ({
      %run_scoped3A = tpu.sem_alloc : memref<!tpu.dma_semaphore, #tpu.memory_space<semaphore_mem>>
      %dma_start3A_256 = tpu.memref_slice %arg2[%mul3A_2] : memref<32768xi32, #tpu.memory_space<hbm>> -> memref<1024xi32, #tpu.memory_space<hbm>>
      %dma_start3A_257 = tpu.memref_slice %arg2[%mul3A_2] : memref<32768xi32, #tpu.memory_space<hbm>> -> memref<1024xi32, #tpu.memory_space<hbm>>
      tpu.enqueue_dma source(%dma_start3A_257 : memref<1024xi32, #tpu.memory_space<hbm>>) target(%arg5 : memref<1024xi32, #tpu.memory_space<vmem>>) target_semaphore(%run_scoped3A : memref<!tpu.dma_semaphore, #tpu.memory_space<semaphore_mem>>)
      %dma_wait3A_258 = tpu.memref_slice %arg2[%mul3A_2] : memref<32768xi32, #tpu.memory_space<hbm>> -> memref<1024xi32, #tpu.memory_space<hbm>>
      %dma_wait3A_259 = tpu.memref_slice %arg2[%mul3A_2] : memref<32768xi32, #tpu.memory_space<hbm>> -> memref<1024xi32, #tpu.memory_space<hbm>>
      tpu.wait_dma2 semaphore(%run_scoped3A : memref<!tpu.dma_semaphore, #tpu.memory_space<semaphore_mem>>) src(%dma_wait3A_259 : memref<1024xi32, #tpu.memory_space<hbm>>) dst(%arg5 : memref<1024xi32, #tpu.memory_space<vmem>>)
      tpu.yield
    }) : () -> ()
    %dma_start3A = arith.constant 0 : i32
    %dma_start3A_3 = arith.constant 0 : i32
    %dma_start3A_4 = arith.constant 0 : i32
    %dma_start3A_5 = tpu.memref_slice %arg6[%dma_start3A, %dma_start3A_3, %dma_start3A_4] : memref<3x32x1024xf32, #tpu.memory_space<vmem>> -> memref<1x32x1024xf32, #tpu.memory_space<vmem>>
    %dma_start3A_6 = tpu.memref_squeeze %dma_start3A_5 : memref<1x32x1024xf32, #tpu.memory_space<vmem>> -> memref<32x1024xf32, #tpu.memory_space<vmem>>
    %dma_start3A_7 = arith.constant 0 : i32
    %dma_start3A_8 = tpu.memref_slice %arg5[%dma_start3A_7] : memref<1024xi32, #tpu.memory_space<vmem>> -> memref<32xi32, #tpu.memory_space<vmem>>
    %dma_start3A_9 = arith.constant 0 : i32
    %dma_start3A_10 = arith.constant 0 : i32
    %dma_start3A_11 = tpu.memref_slice %arg3[%dma_start3A_9, %dma_start3A_10] : memref<8192x1024xf32, #tpu.memory_space<hbm>> -> memref<8192x1024xf32, #tpu.memory_space<hbm>>
    tpu.enqueue_indirect_dma source(%dma_start3A_11 : memref<8192x1024xf32, #tpu.memory_space<hbm>>) target(%dma_start3A_6 : memref<32x1024xf32, #tpu.memory_space<vmem>>) offsets(%dma_start3A_8 : memref<32xi32, #tpu.memory_space<vmem>>) semaphore(%arg7 : memref<!tpu.dma_semaphore, #tpu.memory_space<semaphore_mem>>)
    %dma_start3A_12 = arith.constant 1 : i32
    %dma_start3A_13 = arith.constant 0 : i32
    %dma_start3A_14 = arith.constant 0 : i32
    %dma_start3A_15 = tpu.memref_slice %arg6[%dma_start3A_12, %dma_start3A_13, %dma_start3A_14] : memref<3x32x1024xf32, #tpu.memory_space<vmem>> -> memref<1x32x1024xf32, #tpu.memory_space<vmem>>
    %dma_start3A_16 = tpu.memref_squeeze %dma_start3A_15 : memref<1x32x1024xf32, #tpu.memory_space<vmem>> -> memref<32x1024xf32, #tpu.memory_space<vmem>>
    %dma_start3A_17 = arith.constant 32 : i32
    %dma_start3A_18 = tpu.memref_slice %arg5[%dma_start3A_17] : memref<1024xi32, #tpu.memory_space<vmem>> -> memref<32xi32, #tpu.memory_space<vmem>>
    %dma_start3A_19 = arith.constant 0 : i32
    %dma_start3A_20 = arith.constant 0 : i32
    %dma_start3A_21 = tpu.memref_slice %arg3[%dma_start3A_19, %dma_start3A_20] : memref<8192x1024xf32, #tpu.memory_space<hbm>> -> memref<8192x1024xf32, #tpu.memory_space<hbm>>
    tpu.enqueue_indirect_dma source(%dma_start3A_21 : memref<8192x1024xf32, #tpu.memory_space<hbm>>) target(%dma_start3A_16 : memref<32x1024xf32, #tpu.memory_space<vmem>>) offsets(%dma_start3A_18 : memref<32xi32, #tpu.memory_space<vmem>>) semaphore(%arg8 : memref<!tpu.dma_semaphore, #tpu.memory_space<semaphore_mem>>)
    %dma_start3A_22 = arith.constant 2 : i32
    %dma_start3A_23 = arith.constant 0 : i32
    %dma_start3A_24 = arith.constant 0 : i32
    %dma_start3A_25 = tpu.memref_slice %arg6[%dma_start3A_22, %dma_start3A_23, %dma_start3A_24] : memref<3x32x1024xf32, #tpu.memory_space<vmem>> -> memref<1x32x1024xf32, #tpu.memory_space<vmem>>
    %dma_start3A_26 = tpu.memref_squeeze %dma_start3A_25 : memref<1x32x1024xf32, #tpu.memory_space<vmem>> -> memref<32x1024xf32, #tpu.memory_space<vmem>>
    %dma_start3A_27 = arith.constant 64 : i32
    %dma_start3A_28 = tpu.memref_slice %arg5[%dma_start3A_27] : memref<1024xi32, #tpu.memory_space<vmem>> -> memref<32xi32, #tpu.memory_space<vmem>>
    %dma_start3A_29 = arith.constant 0 : i32
    %dma_start3A_30 = arith.constant 0 : i32
    %dma_start3A_31 = tpu.memref_slice %arg3[%dma_start3A_29, %dma_start3A_30] : memref<8192x1024xf32, #tpu.memory_space<hbm>> -> memref<8192x1024xf32, #tpu.memory_space<hbm>>
    tpu.enqueue_indirect_dma source(%dma_start3A_31 : memref<8192x1024xf32, #tpu.memory_space<hbm>>) target(%dma_start3A_26 : memref<32x1024xf32, #tpu.memory_space<vmem>>) offsets(%dma_start3A_28 : memref<32xi32, #tpu.memory_space<vmem>>) semaphore(%arg9 : memref<!tpu.dma_semaphore, #tpu.memory_space<semaphore_mem>>)
    %dma_wait3A = arith.constant 0 : i32
    %dma_wait3A_32 = arith.constant 0 : i32
    %dma_wait3A_33 = arith.constant 0 : i32
    %dma_wait3A_34 = tpu.memref_slice %arg6[%dma_wait3A, %dma_wait3A_32, %dma_wait3A_33] : memref<3x32x1024xf32, #tpu.memory_space<vmem>> -> memref<1x32x1024xf32, #tpu.memory_space<vmem>>
    %dma_wait3A_35 = tpu.memref_squeeze %dma_wait3A_34 : memref<1x32x1024xf32, #tpu.memory_space<vmem>> -> memref<32x1024xf32, #tpu.memory_space<vmem>>
    %dma_wait3A_36 = arith.constant 0 : i32
    %dma_wait3A_37 = tpu.memref_slice %arg5[%dma_wait3A_36] : memref<1024xi32, #tpu.memory_space<vmem>> -> memref<32xi32, #tpu.memory_space<vmem>>
    %dma_wait3A_38 = arith.constant 0 : i32
    %dma_wait3A_39 = arith.constant 0 : i32
    %dma_wait3A_40 = tpu.memref_slice %arg3[%dma_wait3A_38, %dma_wait3A_39] : memref<8192x1024xf32, #tpu.memory_space<hbm>> -> memref<8192x1024xf32, #tpu.memory_space<hbm>>
    tpu.wait_indirect_dma semaphore(%arg7 : memref<!tpu.dma_semaphore, #tpu.memory_space<semaphore_mem>>) src(%dma_wait3A_40 : memref<8192x1024xf32, #tpu.memory_space<hbm>>) dst(%dma_wait3A_35 : memref<32x1024xf32, #tpu.memory_space<vmem>>)
    %add3A_41 = arith.constant 0 : i32
    %add3A_42 = arith.addi %mul3A_2, %add3A_41 : i32
    %dma_start3A_43 = arith.constant 0 : i32
    %dma_start3A_44 = arith.constant 0 : i32
    %dma_start3A_45 = arith.constant 0 : i32
    %dma_start3A_46 = tpu.memref_slice %arg6[%dma_start3A_43, %dma_start3A_44, %dma_start3A_45] : memref<3x32x1024xf32, #tpu.memory_space<vmem>> -> memref<1x32x1024xf32, #tpu.memory_space<vmem>>
    %dma_start3A_47 = tpu.memref_squeeze %dma_start3A_46 : memref<1x32x1024xf32, #tpu.memory_space<vmem>> -> memref<32x1024xf32, #tpu.memory_space<vmem>>
    %dma_start3A_48 = arith.constant 0 : i32
    %dma_start3A_49 = tpu.memref_slice %arg4[%add3A_42, %dma_start3A_48] : memref<32768x1024xf32, #tpu.memory_space<hbm>> -> memref<32x1024xf32, #tpu.memory_space<hbm>>
    %dma_start3A_50 = arith.constant 0 : i32
    %dma_start3A_51 = tpu.memref_slice %arg4[%add3A_42, %dma_start3A_50] : memref<32768x1024xf32, #tpu.memory_space<hbm>> -> memref<32x1024xf32, #tpu.memory_space<hbm>>
    %dma_start3A_52 = arith.constant 0 : i32
    %dma_start3A_53 = arith.constant 0 : i32
    %dma_start3A_54 = tpu.memref_slice %arg6[%dma_start3A_43, %dma_start3A_52, %dma_start3A_53] : memref<3x32x1024xf32, #tpu.memory_space<vmem>> -> memref<1x32x1024xf32, #tpu.memory_space<vmem>>
    %dma_start3A_55 = tpu.memref_squeeze %dma_start3A_54 : memref<1x32x1024xf32, #tpu.memory_space<vmem>> -> memref<32x1024xf32, #tpu.memory_space<vmem>>
    tpu.enqueue_dma source(%dma_start3A_55 : memref<32x1024xf32, #tpu.memory_space<vmem>>) target(%dma_start3A_51 : memref<32x1024xf32, #tpu.memory_space<hbm>>) target_semaphore(%arg10 : memref<!tpu.dma_semaphore, #tpu.memory_space<semaphore_mem>>)
    %scan3A = arith.constant 0 : i32
    %scan3A_56 = arith.constant 0 : i32
    %scan3A_57 = arith.constant 9 : i32
    %scan3A_58 = arith.addi %scan3A_56, %scan3A_57 : i32
    %scan3A_59 = arith.constant 1 : i32
    scf.for %scan3A_256 = %scan3A_56 to %scan3A_58 step %scan3A_59  : i32 {
      %mul3A_257 = arith.constant 3 : i32
      %mul3A_258 = arith.muli %mul3A_257, %scan3A_256 : i32
      %add3A_259 = arith.constant 1 : i32
      %add3A_260 = arith.addi %add3A_259, %mul3A_258 : i32
      %add3A_261 = arith.constant 0 : i32
      %add3A_262 = arith.addi %add3A_260, %add3A_261 : i32
      %sub3A = arith.constant 1 : i32
      %sub3A_263 = arith.subi %add3A_262, %sub3A : i32
      %mul3A_264 = arith.constant 32 : i32
      %mul3A_265 = arith.muli %sub3A_263, %mul3A_264 : i32
      %add3A_266 = arith.addi %mul3A_2, %mul3A_265 : i32
      %dma_wait3A_267 = arith.constant 0 : i32
      %dma_wait3A_268 = arith.constant 0 : i32
      %dma_wait3A_269 = arith.constant 0 : i32
      %dma_wait3A_270 = tpu.memref_slice %arg6[%dma_wait3A_267, %dma_wait3A_268, %dma_wait3A_269] : memref<3x32x1024xf32, #tpu.memory_space<vmem>> -> memref<1x32x1024xf32, #tpu.memory_space<vmem>>
      %dma_wait3A_271 = tpu.memref_squeeze %dma_wait3A_270 : memref<1x32x1024xf32, #tpu.memory_space<vmem>> -> memref<32x1024xf32, #tpu.memory_space<vmem>>
      %dma_wait3A_272 = arith.constant 0 : i32
      %dma_wait3A_273 = tpu.memref_slice %arg4[%add3A_266, %dma_wait3A_272] : memref<32768x1024xf32, #tpu.memory_space<hbm>> -> memref<32x1024xf32, #tpu.memory_space<hbm>>
      %dma_wait3A_274 = arith.constant 0 : i32
      %dma_wait3A_275 = tpu.memref_slice %arg4[%add3A_266, %dma_wait3A_274] : memref<32768x1024xf32, #tpu.memory_space<hbm>> -> memref<32x1024xf32, #tpu.memory_space<hbm>>
      %dma_wait3A_276 = arith.constant 0 : i32
      %dma_wait3A_277 = arith.constant 0 : i32
      %dma_wait3A_278 = tpu.memref_slice %arg6[%dma_wait3A_267, %dma_wait3A_276, %dma_wait3A_277] : memref<3x32x1024xf32, #tpu.memory_space<vmem>> -> memref<1x32x1024xf32, #tpu.memory_space<vmem>>
      %dma_wait3A_279 = tpu.memref_squeeze %dma_wait3A_278 : memref<1x32x1024xf32, #tpu.memory_space<vmem>> -> memref<32x1024xf32, #tpu.memory_space<vmem>>
      tpu.wait_dma2 semaphore(%arg10 : memref<!tpu.dma_semaphore, #tpu.memory_space<semaphore_mem>>) src(%dma_wait3A_279 : memref<32x1024xf32, #tpu.memory_space<vmem>>) dst(%dma_wait3A_275 : memref<32x1024xf32, #tpu.memory_space<hbm>>)
      %add3A_280 = arith.constant 3 : i32
      %add3A_281 = arith.addi %add3A_262, %add3A_280 : i32
      %sub3A_282 = arith.constant 1 : i32
      %sub3A_283 = arith.subi %add3A_281, %sub3A_282 : i32
      %mul3A_284 = arith.constant 32 : i32
      %mul3A_285 = arith.muli %sub3A_283, %mul3A_284 : i32
      %dma_start3A_286 = arith.constant 0 : i32
      %dma_start3A_287 = arith.constant 0 : i32
      %dma_start3A_288 = arith.constant 0 : i32
      %dma_start3A_289 = tpu.memref_slice %arg6[%dma_start3A_286, %dma_start3A_287, %dma_start3A_288] : memref<3x32x1024xf32, #tpu.memory_space<vmem>> -> memref<1x32x1024xf32, #tpu.memory_space<vmem>>
      %dma_start3A_290 = tpu.memref_squeeze %dma_start3A_289 : memref<1x32x1024xf32, #tpu.memory_space<vmem>> -> memref<32x1024xf32, #tpu.memory_space<vmem>>
      %dma_start3A_291 = tpu.memref_slice %arg5[%mul3A_285] : memref<1024xi32, #tpu.memory_space<vmem>> -> memref<32xi32, #tpu.memory_space<vmem>>
      %dma_start3A_292 = arith.constant 0 : i32
      %dma_start3A_293 = arith.constant 0 : i32
      %dma_start3A_294 = tpu.memref_slice %arg3[%dma_start3A_292, %dma_start3A_293] : memref<8192x1024xf32, #tpu.memory_space<hbm>> -> memref<8192x1024xf32, #tpu.memory_space<hbm>>
      tpu.enqueue_indirect_dma source(%dma_start3A_294 : memref<8192x1024xf32, #tpu.memory_space<hbm>>) target(%dma_start3A_290 : memref<32x1024xf32, #tpu.memory_space<vmem>>) offsets(%dma_start3A_291 : memref<32xi32, #tpu.memory_space<vmem>>) semaphore(%arg7 : memref<!tpu.dma_semaphore, #tpu.memory_space<semaphore_mem>>)
      %mul3A_295 = arith.constant 32 : i32
      %mul3A_296 = arith.muli %add3A_262, %mul3A_295 : i32
      %dma_wait3A_297 = arith.constant 1 : i32
      %dma_wait3A_298 = arith.constant 0 : i32
      %dma_wait3A_299 = arith.constant 0 : i32
      %dma_wait3A_300 = tpu.memref_slice %arg6[%dma_wait3A_297, %dma_wait3A_298, %dma_wait3A_299] : memref<3x32x1024xf32, #tpu.memory_space<vmem>> -> memref<1x32x1024xf32, #tpu.memory_space<vmem>>
      %dma_wait3A_301 = tpu.memref_squeeze %dma_wait3A_300 : memref<1x32x1024xf32, #tpu.memory_space<vmem>> -> memref<32x1024xf32, #tpu.memory_space<vmem>>
      %dma_wait3A_302 = tpu.memref_slice %arg5[%mul3A_296] : memref<1024xi32, #tpu.memory_space<vmem>> -> memref<32xi32, #tpu.memory_space<vmem>>
      %dma_wait3A_303 = arith.constant 0 : i32
      %dma_wait3A_304 = arith.constant 0 : i32
      %dma_wait3A_305 = tpu.memref_slice %arg3[%dma_wait3A_303, %dma_wait3A_304] : memref<8192x1024xf32, #tpu.memory_space<hbm>> -> memref<8192x1024xf32, #tpu.memory_space<hbm>>
      tpu.wait_indirect_dma semaphore(%arg8 : memref<!tpu.dma_semaphore, #tpu.memory_space<semaphore_mem>>) src(%dma_wait3A_305 : memref<8192x1024xf32, #tpu.memory_space<hbm>>) dst(%dma_wait3A_301 : memref<32x1024xf32, #tpu.memory_space<vmem>>)
      %mul3A_306 = arith.constant 32 : i32
      %mul3A_307 = arith.muli %add3A_262, %mul3A_306 : i32
      %add3A_308 = arith.addi %mul3A_2, %mul3A_307 : i32
      %dma_start3A_309 = arith.constant 1 : i32
      %dma_start3A_310 = arith.constant 0 : i32
      %dma_start3A_311 = arith.constant 0 : i32
      %dma_start3A_312 = tpu.memref_slice %arg6[%dma_start3A_309, %dma_start3A_310, %dma_start3A_311] : memref<3x32x1024xf32, #tpu.memory_space<vmem>> -> memref<1x32x1024xf32, #tpu.memory_space<vmem>>
      %dma_start3A_313 = tpu.memref_squeeze %dma_start3A_312 : memref<1x32x1024xf32, #tpu.memory_space<vmem>> -> memref<32x1024xf32, #tpu.memory_space<vmem>>
      %dma_start3A_314 = arith.constant 0 : i32
      %dma_start3A_315 = tpu.memref_slice %arg4[%add3A_308, %dma_start3A_314] : memref<32768x1024xf32, #tpu.memory_space<hbm>> -> memref<32x1024xf32, #tpu.memory_space<hbm>>
      %dma_start3A_316 = arith.constant 0 : i32
      %dma_start3A_317 = tpu.memref_slice %arg4[%add3A_308, %dma_start3A_316] : memref<32768x1024xf32, #tpu.memory_space<hbm>> -> memref<32x1024xf32, #tpu.memory_space<hbm>>
      %dma_start3A_318 = arith.constant 0 : i32
      %dma_start3A_319 = arith.constant 0 : i32
      %dma_start3A_320 = tpu.memref_slice %arg6[%dma_start3A_309, %dma_start3A_318, %dma_start3A_319] : memref<3x32x1024xf32, #tpu.memory_space<vmem>> -> memref<1x32x1024xf32, #tpu.memory_space<vmem>>
      %dma_start3A_321 = tpu.memref_squeeze %dma_start3A_320 : memref<1x32x1024xf32, #tpu.memory_space<vmem>> -> memref<32x1024xf32, #tpu.memory_space<vmem>>
      tpu.enqueue_dma source(%dma_start3A_321 : memref<32x1024xf32, #tpu.memory_space<vmem>>) target(%dma_start3A_317 : memref<32x1024xf32, #tpu.memory_space<hbm>>) target_semaphore(%arg11 : memref<!tpu.dma_semaphore, #tpu.memory_space<semaphore_mem>>)
      %mul3A_322 = arith.constant 3 : i32
      %mul3A_323 = arith.muli %mul3A_322, %scan3A_256 : i32
      %add3A_324 = arith.constant 1 : i32
      %add3A_325 = arith.addi %add3A_324, %mul3A_323 : i32
      %add3A_326 = arith.constant 1 : i32
      %add3A_327 = arith.addi %add3A_325, %add3A_326 : i32
      %sub3A_328 = arith.constant 1 : i32
      %sub3A_329 = arith.subi %add3A_327, %sub3A_328 : i32
      %mul3A_330 = arith.constant 32 : i32
      %mul3A_331 = arith.muli %sub3A_329, %mul3A_330 : i32
      %add3A_332 = arith.addi %mul3A_2, %mul3A_331 : i32
      %dma_wait3A_333 = arith.constant 1 : i32
      %dma_wait3A_334 = arith.constant 0 : i32
      %dma_wait3A_335 = arith.constant 0 : i32
      %dma_wait3A_336 = tpu.memref_slice %arg6[%dma_wait3A_333, %dma_wait3A_334, %dma_wait3A_335] : memref<3x32x1024xf32, #tpu.memory_space<vmem>> -> memref<1x32x1024xf32, #tpu.memory_space<vmem>>
      %dma_wait3A_337 = tpu.memref_squeeze %dma_wait3A_336 : memref<1x32x1024xf32, #tpu.memory_space<vmem>> -> memref<32x1024xf32, #tpu.memory_space<vmem>>
      %dma_wait3A_338 = arith.constant 0 : i32
      %dma_wait3A_339 = tpu.memref_slice %arg4[%add3A_332, %dma_wait3A_338] : memref<32768x1024xf32, #tpu.memory_space<hbm>> -> memref<32x1024xf32, #tpu.memory_space<hbm>>
      %dma_wait3A_340 = arith.constant 0 : i32
      %dma_wait3A_341 = tpu.memref_slice %arg4[%add3A_332, %dma_wait3A_340] : memref<32768x1024xf32, #tpu.memory_space<hbm>> -> memref<32x1024xf32, #tpu.memory_space<hbm>>
      %dma_wait3A_342 = arith.constant 0 : i32
      %dma_wait3A_343 = arith.constant 0 : i32
      %dma_wait3A_344 = tpu.memref_slice %arg6[%dma_wait3A_333, %dma_wait3A_342, %dma_wait3A_343] : memref<3x32x1024xf32, #tpu.memory_space<vmem>> -> memref<1x32x1024xf32, #tpu.memory_space<vmem>>
      %dma_wait3A_345 = tpu.memref_squeeze %dma_wait3A_344 : memref<1x32x1024xf32, #tpu.memory_space<vmem>> -> memref<32x1024xf32, #tpu.memory_space<vmem>>
      tpu.wait_dma2 semaphore(%arg11 : memref<!tpu.dma_semaphore, #tpu.memory_space<semaphore_mem>>) src(%dma_wait3A_345 : memref<32x1024xf32, #tpu.memory_space<vmem>>) dst(%dma_wait3A_341 : memref<32x1024xf32, #tpu.memory_space<hbm>>)
      %add3A_346 = arith.constant 3 : i32
      %add3A_347 = arith.addi %add3A_327, %add3A_346 : i32
      %sub3A_348 = arith.constant 1 : i32
      %sub3A_349 = arith.subi %add3A_347, %sub3A_348 : i32
      %mul3A_350 = arith.constant 32 : i32
      %mul3A_351 = arith.muli %sub3A_349, %mul3A_350 : i32
      %dma_start3A_352 = arith.constant 1 : i32
      %dma_start3A_353 = arith.constant 0 : i32
      %dma_start3A_354 = arith.constant 0 : i32
      %dma_start3A_355 = tpu.memref_slice %arg6[%dma_start3A_352, %dma_start3A_353, %dma_start3A_354] : memref<3x32x1024xf32, #tpu.memory_space<vmem>> -> memref<1x32x1024xf32, #tpu.memory_space<vmem>>
      %dma_start3A_356 = tpu.memref_squeeze %dma_start3A_355 : memref<1x32x1024xf32, #tpu.memory_space<vmem>> -> memref<32x1024xf32, #tpu.memory_space<vmem>>
      %dma_start3A_357 = tpu.memref_slice %arg5[%mul3A_351] : memref<1024xi32, #tpu.memory_space<vmem>> -> memref<32xi32, #tpu.memory_space<vmem>>
      %dma_start3A_358 = arith.constant 0 : i32
      %dma_start3A_359 = arith.constant 0 : i32
      %dma_start3A_360 = tpu.memref_slice %arg3[%dma_start3A_358, %dma_start3A_359] : memref<8192x1024xf32, #tpu.memory_space<hbm>> -> memref<8192x1024xf32, #tpu.memory_space<hbm>>
      tpu.enqueue_indirect_dma source(%dma_start3A_360 : memref<8192x1024xf32, #tpu.memory_space<hbm>>) target(%dma_start3A_356 : memref<32x1024xf32, #tpu.memory_space<vmem>>) offsets(%dma_start3A_357 : memref<32xi32, #tpu.memory_space<vmem>>) semaphore(%arg8 : memref<!tpu.dma_semaphore, #tpu.memory_space<semaphore_mem>>)
      %mul3A_361 = arith.constant 32 : i32
      %mul3A_362 = arith.muli %add3A_327, %mul3A_361 : i32
      %dma_wait3A_363 = arith.constant 2 : i32
      %dma_wait3A_364 = arith.constant 0 : i32
      %dma_wait3A_365 = arith.constant 0 : i32
      %dma_wait3A_366 = tpu.memref_slice %arg6[%dma_wait3A_363, %dma_wait3A_364, %dma_wait3A_365] : memref<3x32x1024xf32, #tpu.memory_space<vmem>> -> memref<1x32x1024xf32, #tpu.memory_space<vmem>>
      %dma_wait3A_367 = tpu.memref_squeeze %dma_wait3A_366 : memref<1x32x1024xf32, #tpu.memory_space<vmem>> -> memref<32x1024xf32, #tpu.memory_space<vmem>>
      %dma_wait3A_368 = tpu.memref_slice %arg5[%mul3A_362] : memref<1024xi32, #tpu.memory_space<vmem>> -> memref<32xi32, #tpu.memory_space<vmem>>
      %dma_wait3A_369 = arith.constant 0 : i32
      %dma_wait3A_370 = arith.constant 0 : i32
      %dma_wait3A_371 = tpu.memref_slice %arg3[%dma_wait3A_369, %dma_wait3A_370] : memref<8192x1024xf32, #tpu.memory_space<hbm>> -> memref<8192x1024xf32, #tpu.memory_space<hbm>>
      tpu.wait_indirect_dma semaphore(%arg9 : memref<!tpu.dma_semaphore, #tpu.memory_space<semaphore_mem>>) src(%dma_wait3A_371 : memref<8192x1024xf32, #tpu.memory_space<hbm>>) dst(%dma_wait3A_367 : memref<32x1024xf32, #tpu.memory_space<vmem>>)
      %mul3A_372 = arith.constant 32 : i32
      %mul3A_373 = arith.muli %add3A_327, %mul3A_372 : i32
      %add3A_374 = arith.addi %mul3A_2, %mul3A_373 : i32
      %dma_start3A_375 = arith.constant 2 : i32
      %dma_start3A_376 = arith.constant 0 : i32
      %dma_start3A_377 = arith.constant 0 : i32
      %dma_start3A_378 = tpu.memref_slice %arg6[%dma_start3A_375, %dma_start3A_376, %dma_start3A_377] : memref<3x32x1024xf32, #tpu.memory_space<vmem>> -> memref<1x32x1024xf32, #tpu.memory_space<vmem>>
      %dma_start3A_379 = tpu.memref_squeeze %dma_start3A_378 : memref<1x32x1024xf32, #tpu.memory_space<vmem>> -> memref<32x1024xf32, #tpu.memory_space<vmem>>
      %dma_start3A_380 = arith.constant 0 : i32
      %dma_start3A_381 = tpu.memref_slice %arg4[%add3A_374, %dma_start3A_380] : memref<32768x1024xf32, #tpu.memory_space<hbm>> -> memref<32x1024xf32, #tpu.memory_space<hbm>>
      %dma_start3A_382 = arith.constant 0 : i32
      %dma_start3A_383 = tpu.memref_slice %arg4[%add3A_374, %dma_start3A_382] : memref<32768x1024xf32, #tpu.memory_space<hbm>> -> memref<32x1024xf32, #tpu.memory_space<hbm>>
      %dma_start3A_384 = arith.constant 0 : i32
      %dma_start3A_385 = arith.constant 0 : i32
      %dma_start3A_386 = tpu.memref_slice %arg6[%dma_start3A_375, %dma_start3A_384, %dma_start3A_385] : memref<3x32x1024xf32, #tpu.memory_space<vmem>> -> memref<1x32x1024xf32, #tpu.memory_space<vmem>>
      %dma_start3A_387 = tpu.memref_squeeze %dma_start3A_386 : memref<1x32x1024xf32, #tpu.memory_space<vmem>> -> memref<32x1024xf32, #tpu.memory_space<vmem>>
      tpu.enqueue_dma source(%dma_start3A_387 : memref<32x1024xf32, #tpu.memory_space<vmem>>) target(%dma_start3A_383 : memref<32x1024xf32, #tpu.memory_space<hbm>>) target_semaphore(%arg12 : memref<!tpu.dma_semaphore, #tpu.memory_space<semaphore_mem>>)
      %mul3A_388 = arith.constant 3 : i32
      %mul3A_389 = arith.muli %mul3A_388, %scan3A_256 : i32
      %add3A_390 = arith.constant 1 : i32
      %add3A_391 = arith.addi %add3A_390, %mul3A_389 : i32
      %add3A_392 = arith.constant 2 : i32
      %add3A_393 = arith.addi %add3A_391, %add3A_392 : i32
      %sub3A_394 = arith.constant 1 : i32
      %sub3A_395 = arith.subi %add3A_393, %sub3A_394 : i32
      %mul3A_396 = arith.constant 32 : i32
      %mul3A_397 = arith.muli %sub3A_395, %mul3A_396 : i32
      %add3A_398 = arith.addi %mul3A_2, %mul3A_397 : i32
      %dma_wait3A_399 = arith.constant 2 : i32
      %dma_wait3A_400 = arith.constant 0 : i32
      %dma_wait3A_401 = arith.constant 0 : i32
      %dma_wait3A_402 = tpu.memref_slice %arg6[%dma_wait3A_399, %dma_wait3A_400, %dma_wait3A_401] : memref<3x32x1024xf32, #tpu.memory_space<vmem>> -> memref<1x32x1024xf32, #tpu.memory_space<vmem>>
      %dma_wait3A_403 = tpu.memref_squeeze %dma_wait3A_402 : memref<1x32x1024xf32, #tpu.memory_space<vmem>> -> memref<32x1024xf32, #tpu.memory_space<vmem>>
      %dma_wait3A_404 = arith.constant 0 : i32
      %dma_wait3A_405 = tpu.memref_slice %arg4[%add3A_398, %dma_wait3A_404] : memref<32768x1024xf32, #tpu.memory_space<hbm>> -> memref<32x1024xf32, #tpu.memory_space<hbm>>
      %dma_wait3A_406 = arith.constant 0 : i32
      %dma_wait3A_407 = tpu.memref_slice %arg4[%add3A_398, %dma_wait3A_406] : memref<32768x1024xf32, #tpu.memory_space<hbm>> -> memref<32x1024xf32, #tpu.memory_space<hbm>>
      %dma_wait3A_408 = arith.constant 0 : i32
      %dma_wait3A_409 = arith.constant 0 : i32
      %dma_wait3A_410 = tpu.memref_slice %arg6[%dma_wait3A_399, %dma_wait3A_408, %dma_wait3A_409] : memref<3x32x1024xf32, #tpu.memory_space<vmem>> -> memref<1x32x1024xf32, #tpu.memory_space<vmem>>
      %dma_wait3A_411 = tpu.memref_squeeze %dma_wait3A_410 : memref<1x32x1024xf32, #tpu.memory_space<vmem>> -> memref<32x1024xf32, #tpu.memory_space<vmem>>
      tpu.wait_dma2 semaphore(%arg12 : memref<!tpu.dma_semaphore, #tpu.memory_space<semaphore_mem>>) src(%dma_wait3A_411 : memref<32x1024xf32, #tpu.memory_space<vmem>>) dst(%dma_wait3A_407 : memref<32x1024xf32, #tpu.memory_space<hbm>>)
      %add3A_412 = arith.constant 3 : i32
      %add3A_413 = arith.addi %add3A_393, %add3A_412 : i32
      %sub3A_414 = arith.constant 1 : i32
      %sub3A_415 = arith.subi %add3A_413, %sub3A_414 : i32
      %mul3A_416 = arith.constant 32 : i32
      %mul3A_417 = arith.muli %sub3A_415, %mul3A_416 : i32
      %dma_start3A_418 = arith.constant 2 : i32
      %dma_start3A_419 = arith.constant 0 : i32
      %dma_start3A_420 = arith.constant 0 : i32
      %dma_start3A_421 = tpu.memref_slice %arg6[%dma_start3A_418, %dma_start3A_419, %dma_start3A_420] : memref<3x32x1024xf32, #tpu.memory_space<vmem>> -> memref<1x32x1024xf32, #tpu.memory_space<vmem>>
      %dma_start3A_422 = tpu.memref_squeeze %dma_start3A_421 : memref<1x32x1024xf32, #tpu.memory_space<vmem>> -> memref<32x1024xf32, #tpu.memory_space<vmem>>
      %dma_start3A_423 = tpu.memref_slice %arg5[%mul3A_417] : memref<1024xi32, #tpu.memory_space<vmem>> -> memref<32xi32, #tpu.memory_space<vmem>>
      %dma_start3A_424 = arith.constant 0 : i32
      %dma_start3A_425 = arith.constant 0 : i32
      %dma_start3A_426 = tpu.memref_slice %arg3[%dma_start3A_424, %dma_start3A_425] : memref<8192x1024xf32, #tpu.memory_space<hbm>> -> memref<8192x1024xf32, #tpu.memory_space<hbm>>
      tpu.enqueue_indirect_dma source(%dma_start3A_426 : memref<8192x1024xf32, #tpu.memory_space<hbm>>) target(%dma_start3A_422 : memref<32x1024xf32, #tpu.memory_space<vmem>>) offsets(%dma_start3A_423 : memref<32xi32, #tpu.memory_space<vmem>>) semaphore(%arg9 : memref<!tpu.dma_semaphore, #tpu.memory_space<semaphore_mem>>)
      %mul3A_427 = arith.constant 32 : i32
      %mul3A_428 = arith.muli %add3A_393, %mul3A_427 : i32
      %dma_wait3A_429 = arith.constant 0 : i32
      %dma_wait3A_430 = arith.constant 0 : i32
      %dma_wait3A_431 = arith.constant 0 : i32
      %dma_wait3A_432 = tpu.memref_slice %arg6[%dma_wait3A_429, %dma_wait3A_430, %dma_wait3A_431] : memref<3x32x1024xf32, #tpu.memory_space<vmem>> -> memref<1x32x1024xf32, #tpu.memory_space<vmem>>
      %dma_wait3A_433 = tpu.memref_squeeze %dma_wait3A_432 : memref<1x32x1024xf32, #tpu.memory_space<vmem>> -> memref<32x1024xf32, #tpu.memory_space<vmem>>
      %dma_wait3A_434 = tpu.memref_slice %arg5[%mul3A_428] : memref<1024xi32, #tpu.memory_space<vmem>> -> memref<32xi32, #tpu.memory_space<vmem>>
      %dma_wait3A_435 = arith.constant 0 : i32
      %dma_wait3A_436 = arith.constant 0 : i32
      %dma_wait3A_437 = tpu.memref_slice %arg3[%dma_wait3A_435, %dma_wait3A_436] : memref<8192x1024xf32, #tpu.memory_space<hbm>> -> memref<8192x1024xf32, #tpu.memory_space<hbm>>
      tpu.wait_indirect_dma semaphore(%arg7 : memref<!tpu.dma_semaphore, #tpu.memory_space<semaphore_mem>>) src(%dma_wait3A_437 : memref<8192x1024xf32, #tpu.memory_space<hbm>>) dst(%dma_wait3A_433 : memref<32x1024xf32, #tpu.memory_space<vmem>>)
      %mul3A_438 = arith.constant 32 : i32
      %mul3A_439 = arith.muli %add3A_393, %mul3A_438 : i32
      %add3A_440 = arith.addi %mul3A_2, %mul3A_439 : i32
      %dma_start3A_441 = arith.constant 0 : i32
      %dma_start3A_442 = arith.constant 0 : i32
      %dma_start3A_443 = arith.constant 0 : i32
      %dma_start3A_444 = tpu.memref_slice %arg6[%dma_start3A_441, %dma_start3A_442, %dma_start3A_443] : memref<3x32x1024xf32, #tpu.memory_space<vmem>> -> memref<1x32x1024xf32, #tpu.memory_space<vmem>>
      %dma_start3A_445 = tpu.memref_squeeze %dma_start3A_444 : memref<1x32x1024xf32, #tpu.memory_space<vmem>> -> memref<32x1024xf32, #tpu.memory_space<vmem>>
      %dma_start3A_446 = arith.constant 0 : i32
      %dma_start3A_447 = tpu.memref_slice %arg4[%add3A_440, %dma_start3A_446] : memref<32768x1024xf32, #tpu.memory_space<hbm>> -> memref<32x1024xf32, #tpu.memory_space<hbm>>
      %dma_start3A_448 = arith.constant 0 : i32
      %dma_start3A_449 = tpu.memref_slice %arg4[%add3A_440, %dma_start3A_448] : memref<32768x1024xf32, #tpu.memory_space<hbm>> -> memref<32x1024xf32, #tpu.memory_space<hbm>>
      %dma_start3A_450 = arith.constant 0 : i32
      %dma_start3A_451 = arith.constant 0 : i32
      %dma_start3A_452 = tpu.memref_slice %arg6[%dma_start3A_441, %dma_start3A_450, %dma_start3A_451] : memref<3x32x1024xf32, #tpu.memory_space<vmem>> -> memref<1x32x1024xf32, #tpu.memory_space<vmem>>
      %dma_start3A_453 = tpu.memref_squeeze %dma_start3A_452 : memref<1x32x1024xf32, #tpu.memory_space<vmem>> -> memref<32x1024xf32, #tpu.memory_space<vmem>>
      tpu.enqueue_dma source(%dma_start3A_453 : memref<32x1024xf32, #tpu.memory_space<vmem>>) target(%dma_start3A_449 : memref<32x1024xf32, #tpu.memory_space<hbm>>) target_semaphore(%arg10 : memref<!tpu.dma_semaphore, #tpu.memory_space<semaphore_mem>>)
    }
    %scan3A_60 = arith.constant 9 : i32
    %add3A_61 = arith.constant 864 : i32
    %add3A_62 = arith.addi %mul3A_2, %add3A_61 : i32
    %dma_wait3A_63 = arith.constant 0 : i32
    %dma_wait3A_64 = arith.constant 0 : i32
    %dma_wait3A_65 = arith.constant 0 : i32
    %dma_wait3A_66 = tpu.memref_slice %arg6[%dma_wait3A_63, %dma_wait3A_64, %dma_wait3A_65] : memref<3x32x1024xf32, #tpu.memory_space<vmem>> -> memref<1x32x1024xf32, #tpu.memory_space<vmem>>
    %dma_wait3A_67 = tpu.memref_squeeze %dma_wait3A_66 : memref<1x32x1024xf32, #tpu.memory_space<vmem>> -> memref<32x1024xf32, #tpu.memory_space<vmem>>
    %dma_wait3A_68 = arith.constant 0 : i32
    %dma_wait3A_69 = tpu.memref_slice %arg4[%add3A_62, %dma_wait3A_68] : memref<32768x1024xf32, #tpu.memory_space<hbm>> -> memref<32x1024xf32, #tpu.memory_space<hbm>>
    %dma_wait3A_70 = arith.constant 0 : i32
    %dma_wait3A_71 = tpu.memref_slice %arg4[%add3A_62, %dma_wait3A_70] : memref<32768x1024xf32, #tpu.memory_space<hbm>> -> memref<32x1024xf32, #tpu.memory_space<hbm>>
    %dma_wait3A_72 = arith.constant 0 : i32
    %dma_wait3A_73 = arith.constant 0 : i32
    %dma_wait3A_74 = tpu.memref_slice %arg6[%dma_wait3A_63, %dma_wait3A_72, %dma_wait3A_73] : memref<3x32x1024xf32, #tpu.memory_space<vmem>> -> memref<1x32x1024xf32, #tpu.memory_space<vmem>>
    %dma_wait3A_75 = tpu.memref_squeeze %dma_wait3A_74 : memref<1x32x1024xf32, #tpu.memory_space<vmem>> -> memref<32x1024xf32, #tpu.memory_space<vmem>>
    tpu.wait_dma2 semaphore(%arg10 : memref<!tpu.dma_semaphore, #tpu.memory_space<semaphore_mem>>) src(%dma_wait3A_75 : memref<32x1024xf32, #tpu.memory_space<vmem>>) dst(%dma_wait3A_71 : memref<32x1024xf32, #tpu.memory_space<hbm>>)
    %dma_start3A_76 = arith.constant 0 : i32
    %dma_start3A_77 = arith.constant 0 : i32
    %dma_start3A_78 = arith.constant 0 : i32
    %dma_start3A_79 = tpu.memref_slice %arg6[%dma_start3A_76, %dma_start3A_77, %dma_start3A_78] : memref<3x32x1024xf32, #tpu.memory_space<vmem>> -> memref<1x32x1024xf32, #tpu.memory_space<vmem>>
    %dma_start3A_80 = tpu.memref_squeeze %dma_start3A_79 : memref<1x32x1024xf32, #tpu.memory_space<vmem>> -> memref<32x1024xf32, #tpu.memory_space<vmem>>
    %dma_start3A_81 = arith.constant 960 : i32
    %dma_start3A_82 = tpu.memref_slice %arg5[%dma_start3A_81] : memref<1024xi32, #tpu.memory_space<vmem>> -> memref<32xi32, #tpu.memory_space<vmem>>
    %dma_start3A_83 = arith.constant 0 : i32
    %dma_start3A_84 = arith.constant 0 : i32
    %dma_start3A_85 = tpu.memref_slice %arg3[%dma_start3A_83, %dma_start3A_84] : memref<8192x1024xf32, #tpu.memory_space<hbm>> -> memref<8192x1024xf32, #tpu.memory_space<hbm>>
    tpu.enqueue_indirect_dma source(%dma_start3A_85 : memref<8192x1024xf32, #tpu.memory_space<hbm>>) target(%dma_start3A_80 : memref<32x1024xf32, #tpu.memory_space<vmem>>) offsets(%dma_start3A_82 : memref<32xi32, #tpu.memory_space<vmem>>) semaphore(%arg7 : memref<!tpu.dma_semaphore, #tpu.memory_space<semaphore_mem>>)
    %dma_wait3A_86 = arith.constant 1 : i32
    %dma_wait3A_87 = arith.constant 0 : i32
    %dma_wait3A_88 = arith.constant 0 : i32
    %dma_wait3A_89 = tpu.memref_slice %arg6[%dma_wait3A_86, %dma_wait3A_87, %dma_wait3A_88] : memref<3x32x1024xf32, #tpu.memory_space<vmem>> -> memref<1x32x1024xf32, #tpu.memory_space<vmem>>
    %dma_wait3A_90 = tpu.memref_squeeze %dma_wait3A_89 : memref<1x32x1024xf32, #tpu.memory_space<vmem>> -> memref<32x1024xf32, #tpu.memory_space<vmem>>
    %dma_wait3A_91 = arith.constant 896 : i32
    %dma_wait3A_92 = tpu.memref_slice %arg5[%dma_wait3A_91] : memref<1024xi32, #tpu.memory_space<vmem>> -> memref<32xi32, #tpu.memory_space<vmem>>
    %dma_wait3A_93 = arith.constant 0 : i32
    %dma_wait3A_94 = arith.constant 0 : i32
    %dma_wait3A_95 = tpu.memref_slice %arg3[%dma_wait3A_93, %dma_wait3A_94] : memref<8192x1024xf32, #tpu.memory_space<hbm>> -> memref<8192x1024xf32, #tpu.memory_space<hbm>>
    tpu.wait_indirect_dma semaphore(%arg8 : memref<!tpu.dma_semaphore, #tpu.memory_space<semaphore_mem>>) src(%dma_wait3A_95 : memref<8192x1024xf32, #tpu.memory_space<hbm>>) dst(%dma_wait3A_90 : memref<32x1024xf32, #tpu.memory_space<vmem>>)
    %add3A_96 = arith.constant 896 : i32
    %add3A_97 = arith.addi %mul3A_2, %add3A_96 : i32
    %dma_start3A_98 = arith.constant 1 : i32
    %dma_start3A_99 = arith.constant 0 : i32
    %dma_start3A_100 = arith.constant 0 : i32
    %dma_start3A_101 = tpu.memref_slice %arg6[%dma_start3A_98, %dma_start3A_99, %dma_start3A_100] : memref<3x32x1024xf32, #tpu.memory_space<vmem>> -> memref<1x32x1024xf32, #tpu.memory_space<vmem>>
    %dma_start3A_102 = tpu.memref_squeeze %dma_start3A_101 : memref<1x32x1024xf32, #tpu.memory_space<vmem>> -> memref<32x1024xf32, #tpu.memory_space<vmem>>
    %dma_start3A_103 = arith.constant 0 : i32
    %dma_start3A_104 = tpu.memref_slice %arg4[%add3A_97, %dma_start3A_103] : memref<32768x1024xf32, #tpu.memory_space<hbm>> -> memref<32x1024xf32, #tpu.memory_space<hbm>>
    %dma_start3A_105 = arith.constant 0 : i32
    %dma_start3A_106 = tpu.memref_slice %arg4[%add3A_97, %dma_start3A_105] : memref<32768x1024xf32, #tpu.memory_space<hbm>> -> memref<32x1024xf32, #tpu.memory_space<hbm>>
    %dma_start3A_107 = arith.constant 0 : i32
    %dma_start3A_108 = arith.constant 0 : i32
    %dma_start3A_109 = tpu.memref_slice %arg6[%dma_start3A_98, %dma_start3A_107, %dma_start3A_108] : memref<3x32x1024xf32, #tpu.memory_space<vmem>> -> memref<1x32x1024xf32, #tpu.memory_space<vmem>>
    %dma_start3A_110 = tpu.memref_squeeze %dma_start3A_109 : memref<1x32x1024xf32, #tpu.memory_space<vmem>> -> memref<32x1024xf32, #tpu.memory_space<vmem>>
    tpu.enqueue_dma source(%dma_start3A_110 : memref<32x1024xf32, #tpu.memory_space<vmem>>) target(%dma_start3A_106 : memref<32x1024xf32, #tpu.memory_space<hbm>>) target_semaphore(%arg11 : memref<!tpu.dma_semaphore, #tpu.memory_space<semaphore_mem>>)
    %add3A_111 = arith.constant 896 : i32
    %add3A_112 = arith.addi %mul3A_2, %add3A_111 : i32
    %dma_wait3A_113 = arith.constant 1 : i32
    %dma_wait3A_114 = arith.constant 0 : i32
    %dma_wait3A_115 = arith.constant 0 : i32
    %dma_wait3A_116 = tpu.memref_slice %arg6[%dma_wait3A_113, %dma_wait3A_114, %dma_wait3A_115] : memref<3x32x1024xf32, #tpu.memory_space<vmem>> -> memref<1x32x1024xf32, #tpu.memory_space<vmem>>
    %dma_wait3A_117 = tpu.memref_squeeze %dma_wait3A_116 : memref<1x32x1024xf32, #tpu.memory_space<vmem>> -> memref<32x1024xf32, #tpu.memory_space<vmem>>
    %dma_wait3A_118 = arith.constant 0 : i32
    %dma_wait3A_119 = tpu.memref_slice %arg4[%add3A_112, %dma_wait3A_118] : memref<32768x1024xf32, #tpu.memory_space<hbm>> -> memref<32x1024xf32, #tpu.memory_space<hbm>>
    %dma_wait3A_120 = arith.constant 0 : i32
    %dma_wait3A_121 = tpu.memref_slice %arg4[%add3A_112, %dma_wait3A_120] : memref<32768x1024xf32, #tpu.memory_space<hbm>> -> memref<32x1024xf32, #tpu.memory_space<hbm>>
    %dma_wait3A_122 = arith.constant 0 : i32
    %dma_wait3A_123 = arith.constant 0 : i32
    %dma_wait3A_124 = tpu.memref_slice %arg6[%dma_wait3A_113, %dma_wait3A_122, %dma_wait3A_123] : memref<3x32x1024xf32, #tpu.memory_space<vmem>> -> memref<1x32x1024xf32, #tpu.memory_space<vmem>>
    %dma_wait3A_125 = tpu.memref_squeeze %dma_wait3A_124 : memref<1x32x1024xf32, #tpu.memory_space<vmem>> -> memref<32x1024xf32, #tpu.memory_space<vmem>>
    tpu.wait_dma2 semaphore(%arg11 : memref<!tpu.dma_semaphore, #tpu.memory_space<semaphore_mem>>) src(%dma_wait3A_125 : memref<32x1024xf32, #tpu.memory_space<vmem>>) dst(%dma_wait3A_121 : memref<32x1024xf32, #tpu.memory_space<hbm>>)
    %dma_start3A_126 = arith.constant 1 : i32
    %dma_start3A_127 = arith.constant 0 : i32
    %dma_start3A_128 = arith.constant 0 : i32
    %dma_start3A_129 = tpu.memref_slice %arg6[%dma_start3A_126, %dma_start3A_127, %dma_start3A_128] : memref<3x32x1024xf32, #tpu.memory_space<vmem>> -> memref<1x32x1024xf32, #tpu.memory_space<vmem>>
    %dma_start3A_130 = tpu.memref_squeeze %dma_start3A_129 : memref<1x32x1024xf32, #tpu.memory_space<vmem>> -> memref<32x1024xf32, #tpu.memory_space<vmem>>
    %dma_start3A_131 = arith.constant 992 : i32
    %dma_start3A_132 = tpu.memref_slice %arg5[%dma_start3A_131] : memref<1024xi32, #tpu.memory_space<vmem>> -> memref<32xi32, #tpu.memory_space<vmem>>
    %dma_start3A_133 = arith.constant 0 : i32
    %dma_start3A_134 = arith.constant 0 : i32
    %dma_start3A_135 = tpu.memref_slice %arg3[%dma_start3A_133, %dma_start3A_134] : memref<8192x1024xf32, #tpu.memory_space<hbm>> -> memref<8192x1024xf32, #tpu.memory_space<hbm>>
    tpu.enqueue_indirect_dma source(%dma_start3A_135 : memref<8192x1024xf32, #tpu.memory_space<hbm>>) target(%dma_start3A_130 : memref<32x1024xf32, #tpu.memory_space<vmem>>) offsets(%dma_start3A_132 : memref<32xi32, #tpu.memory_space<vmem>>) semaphore(%arg8 : memref<!tpu.dma_semaphore, #tpu.memory_space<semaphore_mem>>)
    %dma_wait3A_136 = arith.constant 2 : i32
    %dma_wait3A_137 = arith.constant 0 : i32
    %dma_wait3A_138 = arith.constant 0 : i32
    %dma_wait3A_139 = tpu.memref_slice %arg6[%dma_wait3A_136, %dma_wait3A_137, %dma_wait3A_138] : memref<3x32x1024xf32, #tpu.memory_space<vmem>> -> memref<1x32x1024xf32, #tpu.memory_space<vmem>>
    %dma_wait3A_140 = tpu.memref_squeeze %dma_wait3A_139 : memref<1x32x1024xf32, #tpu.memory_space<vmem>> -> memref<32x1024xf32, #tpu.memory_space<vmem>>
    %dma_wait3A_141 = arith.constant 928 : i32
    %dma_wait3A_142 = tpu.memref_slice %arg5[%dma_wait3A_141] : memref<1024xi32, #tpu.memory_space<vmem>> -> memref<32xi32, #tpu.memory_space<vmem>>
    %dma_wait3A_143 = arith.constant 0 : i32
    %dma_wait3A_144 = arith.constant 0 : i32
    %dma_wait3A_145 = tpu.memref_slice %arg3[%dma_wait3A_143, %dma_wait3A_144] : memref<8192x1024xf32, #tpu.memory_space<hbm>> -> memref<8192x1024xf32, #tpu.memory_space<hbm>>
    tpu.wait_indirect_dma semaphore(%arg9 : memref<!tpu.dma_semaphore, #tpu.memory_space<semaphore_mem>>) src(%dma_wait3A_145 : memref<8192x1024xf32, #tpu.memory_space<hbm>>) dst(%dma_wait3A_140 : memref<32x1024xf32, #tpu.memory_space<vmem>>)
    %add3A_146 = arith.constant 928 : i32
    %add3A_147 = arith.addi %mul3A_2, %add3A_146 : i32
    %dma_start3A_148 = arith.constant 2 : i32
    %dma_start3A_149 = arith.constant 0 : i32
    %dma_start3A_150 = arith.constant 0 : i32
    %dma_start3A_151 = tpu.memref_slice %arg6[%dma_start3A_148, %dma_start3A_149, %dma_start3A_150] : memref<3x32x1024xf32, #tpu.memory_space<vmem>> -> memref<1x32x1024xf32, #tpu.memory_space<vmem>>
    %dma_start3A_152 = tpu.memref_squeeze %dma_start3A_151 : memref<1x32x1024xf32, #tpu.memory_space<vmem>> -> memref<32x1024xf32, #tpu.memory_space<vmem>>
    %dma_start3A_153 = arith.constant 0 : i32
    %dma_start3A_154 = tpu.memref_slice %arg4[%add3A_147, %dma_start3A_153] : memref<32768x1024xf32, #tpu.memory_space<hbm>> -> memref<32x1024xf32, #tpu.memory_space<hbm>>
    %dma_start3A_155 = arith.constant 0 : i32
    %dma_start3A_156 = tpu.memref_slice %arg4[%add3A_147, %dma_start3A_155] : memref<32768x1024xf32, #tpu.memory_space<hbm>> -> memref<32x1024xf32, #tpu.memory_space<hbm>>
    %dma_start3A_157 = arith.constant 0 : i32
    %dma_start3A_158 = arith.constant 0 : i32
    %dma_start3A_159 = tpu.memref_slice %arg6[%dma_start3A_148, %dma_start3A_157, %dma_start3A_158] : memref<3x32x1024xf32, #tpu.memory_space<vmem>> -> memref<1x32x1024xf32, #tpu.memory_space<vmem>>
    %dma_start3A_160 = tpu.memref_squeeze %dma_start3A_159 : memref<1x32x1024xf32, #tpu.memory_space<vmem>> -> memref<32x1024xf32, #tpu.memory_space<vmem>>
    tpu.enqueue_dma source(%dma_start3A_160 : memref<32x1024xf32, #tpu.memory_space<vmem>>) target(%dma_start3A_156 : memref<32x1024xf32, #tpu.memory_space<hbm>>) target_semaphore(%arg12 : memref<!tpu.dma_semaphore, #tpu.memory_space<semaphore_mem>>)
    %dma_wait3A_161 = arith.constant 0 : i32
    %dma_wait3A_162 = arith.constant 0 : i32
    %dma_wait3A_163 = arith.constant 0 : i32
    %dma_wait3A_164 = tpu.memref_slice %arg6[%dma_wait3A_161, %dma_wait3A_162, %dma_wait3A_163] : memref<3x32x1024xf32, #tpu.memory_space<vmem>> -> memref<1x32x1024xf32, #tpu.memory_space<vmem>>
    %dma_wait3A_165 = tpu.memref_squeeze %dma_wait3A_164 : memref<1x32x1024xf32, #tpu.memory_space<vmem>> -> memref<32x1024xf32, #tpu.memory_space<vmem>>
    %dma_wait3A_166 = arith.constant 960 : i32
    %dma_wait3A_167 = tpu.memref_slice %arg5[%dma_wait3A_166] : memref<1024xi32, #tpu.memory_space<vmem>> -> memref<32xi32, #tpu.memory_space<vmem>>
    %dma_wait3A_168 = arith.constant 0 : i32
    %dma_wait3A_169 = arith.constant 0 : i32
    %dma_wait3A_170 = tpu.memref_slice %arg3[%dma_wait3A_168, %dma_wait3A_169] : memref<8192x1024xf32, #tpu.memory_space<hbm>> -> memref<8192x1024xf32, #tpu.memory_space<hbm>>
    tpu.wait_indirect_dma semaphore(%arg7 : memref<!tpu.dma_semaphore, #tpu.memory_space<semaphore_mem>>) src(%dma_wait3A_170 : memref<8192x1024xf32, #tpu.memory_space<hbm>>) dst(%dma_wait3A_165 : memref<32x1024xf32, #tpu.memory_space<vmem>>)
    %add3A_171 = arith.constant 960 : i32
    %add3A_172 = arith.addi %mul3A_2, %add3A_171 : i32
    %dma_start3A_173 = arith.constant 0 : i32
    %dma_start3A_174 = arith.constant 0 : i32
    %dma_start3A_175 = arith.constant 0 : i32
    %dma_start3A_176 = tpu.memref_slice %arg6[%dma_start3A_173, %dma_start3A_174, %dma_start3A_175] : memref<3x32x1024xf32, #tpu.memory_space<vmem>> -> memref<1x32x1024xf32, #tpu.memory_space<vmem>>
    %dma_start3A_177 = tpu.memref_squeeze %dma_start3A_176 : memref<1x32x1024xf32, #tpu.memory_space<vmem>> -> memref<32x1024xf32, #tpu.memory_space<vmem>>
    %dma_start3A_178 = arith.constant 0 : i32
    %dma_start3A_179 = tpu.memref_slice %arg4[%add3A_172, %dma_start3A_178] : memref<32768x1024xf32, #tpu.memory_space<hbm>> -> memref<32x1024xf32, #tpu.memory_space<hbm>>
    %dma_start3A_180 = arith.constant 0 : i32
    %dma_start3A_181 = tpu.memref_slice %arg4[%add3A_172, %dma_start3A_180] : memref<32768x1024xf32, #tpu.memory_space<hbm>> -> memref<32x1024xf32, #tpu.memory_space<hbm>>
    %dma_start3A_182 = arith.constant 0 : i32
    %dma_start3A_183 = arith.constant 0 : i32
    %dma_start3A_184 = tpu.memref_slice %arg6[%dma_start3A_173, %dma_start3A_182, %dma_start3A_183] : memref<3x32x1024xf32, #tpu.memory_space<vmem>> -> memref<1x32x1024xf32, #tpu.memory_space<vmem>>
    %dma_start3A_185 = tpu.memref_squeeze %dma_start3A_184 : memref<1x32x1024xf32, #tpu.memory_space<vmem>> -> memref<32x1024xf32, #tpu.memory_space<vmem>>
    tpu.enqueue_dma source(%dma_start3A_185 : memref<32x1024xf32, #tpu.memory_space<vmem>>) target(%dma_start3A_181 : memref<32x1024xf32, #tpu.memory_space<hbm>>) target_semaphore(%arg10 : memref<!tpu.dma_semaphore, #tpu.memory_space<semaphore_mem>>)
    %dma_wait3A_186 = arith.constant 1 : i32
    %dma_wait3A_187 = arith.constant 0 : i32
    %dma_wait3A_188 = arith.constant 0 : i32
    %dma_wait3A_189 = tpu.memref_slice %arg6[%dma_wait3A_186, %dma_wait3A_187, %dma_wait3A_188] : memref<3x32x1024xf32, #tpu.memory_space<vmem>> -> memref<1x32x1024xf32, #tpu.memory_space<vmem>>
    %dma_wait3A_190 = tpu.memref_squeeze %dma_wait3A_189 : memref<1x32x1024xf32, #tpu.memory_space<vmem>> -> memref<32x1024xf32, #tpu.memory_space<vmem>>
    %dma_wait3A_191 = arith.constant 992 : i32
    %dma_wait3A_192 = tpu.memref_slice %arg5[%dma_wait3A_191] : memref<1024xi32, #tpu.memory_space<vmem>> -> memref<32xi32, #tpu.memory_space<vmem>>
    %dma_wait3A_193 = arith.constant 0 : i32
    %dma_wait3A_194 = arith.constant 0 : i32
    %dma_wait3A_195 = tpu.memref_slice %arg3[%dma_wait3A_193, %dma_wait3A_194] : memref<8192x1024xf32, #tpu.memory_space<hbm>> -> memref<8192x1024xf32, #tpu.memory_space<hbm>>
    tpu.wait_indirect_dma semaphore(%arg8 : memref<!tpu.dma_semaphore, #tpu.memory_space<semaphore_mem>>) src(%dma_wait3A_195 : memref<8192x1024xf32, #tpu.memory_space<hbm>>) dst(%dma_wait3A_190 : memref<32x1024xf32, #tpu.memory_space<vmem>>)
    %add3A_196 = arith.constant 992 : i32
    %add3A_197 = arith.addi %mul3A_2, %add3A_196 : i32
    %dma_start3A_198 = arith.constant 1 : i32
    %dma_start3A_199 = arith.constant 0 : i32
    %dma_start3A_200 = arith.constant 0 : i32
    %dma_start3A_201 = tpu.memref_slice %arg6[%dma_start3A_198, %dma_start3A_199, %dma_start3A_200] : memref<3x32x1024xf32, #tpu.memory_space<vmem>> -> memref<1x32x1024xf32, #tpu.memory_space<vmem>>
    %dma_start3A_202 = tpu.memref_squeeze %dma_start3A_201 : memref<1x32x1024xf32, #tpu.memory_space<vmem>> -> memref<32x1024xf32, #tpu.memory_space<vmem>>
    %dma_start3A_203 = arith.constant 0 : i32
    %dma_start3A_204 = tpu.memref_slice %arg4[%add3A_197, %dma_start3A_203] : memref<32768x1024xf32, #tpu.memory_space<hbm>> -> memref<32x1024xf32, #tpu.memory_space<hbm>>
    %dma_start3A_205 = arith.constant 0 : i32
    %dma_start3A_206 = tpu.memref_slice %arg4[%add3A_197, %dma_start3A_205] : memref<32768x1024xf32, #tpu.memory_space<hbm>> -> memref<32x1024xf32, #tpu.memory_space<hbm>>
    %dma_start3A_207 = arith.constant 0 : i32
    %dma_start3A_208 = arith.constant 0 : i32
    %dma_start3A_209 = tpu.memref_slice %arg6[%dma_start3A_198, %dma_start3A_207, %dma_start3A_208] : memref<3x32x1024xf32, #tpu.memory_space<vmem>> -> memref<1x32x1024xf32, #tpu.memory_space<vmem>>
    %dma_start3A_210 = tpu.memref_squeeze %dma_start3A_209 : memref<1x32x1024xf32, #tpu.memory_space<vmem>> -> memref<32x1024xf32, #tpu.memory_space<vmem>>
    tpu.enqueue_dma source(%dma_start3A_210 : memref<32x1024xf32, #tpu.memory_space<vmem>>) target(%dma_start3A_206 : memref<32x1024xf32, #tpu.memory_space<hbm>>) target_semaphore(%arg11 : memref<!tpu.dma_semaphore, #tpu.memory_space<semaphore_mem>>)
    %add3A_211 = arith.constant 928 : i32
    %add3A_212 = arith.addi %mul3A_2, %add3A_211 : i32
    %dma_wait3A_213 = arith.constant 2 : i32
    %dma_wait3A_214 = arith.constant 0 : i32
    %dma_wait3A_215 = arith.constant 0 : i32
    %dma_wait3A_216 = tpu.memref_slice %arg6[%dma_wait3A_213, %dma_wait3A_214, %dma_wait3A_215] : memref<3x32x1024xf32, #tpu.memory_space<vmem>> -> memref<1x32x1024xf32, #tpu.memory_space<vmem>>
    %dma_wait3A_217 = tpu.memref_squeeze %dma_wait3A_216 : memref<1x32x1024xf32, #tpu.memory_space<vmem>> -> memref<32x1024xf32, #tpu.memory_space<vmem>>
    %dma_wait3A_218 = arith.constant 0 : i32
    %dma_wait3A_219 = tpu.memref_slice %arg4[%add3A_212, %dma_wait3A_218] : memref<32768x1024xf32, #tpu.memory_space<hbm>> -> memref<32x1024xf32, #tpu.memory_space<hbm>>
    %dma_wait3A_220 = arith.constant 0 : i32
    %dma_wait3A_221 = tpu.memref_slice %arg4[%add3A_212, %dma_wait3A_220] : memref<32768x1024xf32, #tpu.memory_space<hbm>> -> memref<32x1024xf32, #tpu.memory_space<hbm>>
    %dma_wait3A_222 = arith.constant 0 : i32
    %dma_wait3A_223 = arith.constant 0 : i32
    %dma_wait3A_224 = tpu.memref_slice %arg6[%dma_wait3A_213, %dma_wait3A_222, %dma_wait3A_223] : memref<3x32x1024xf32, #tpu.memory_space<vmem>> -> memref<1x32x1024xf32, #tpu.memory_space<vmem>>
    %dma_wait3A_225 = tpu.memref_squeeze %dma_wait3A_224 : memref<1x32x1024xf32, #tpu.memory_space<vmem>> -> memref<32x1024xf32, #tpu.memory_space<vmem>>
    tpu.wait_dma2 semaphore(%arg12 : memref<!tpu.dma_semaphore, #tpu.memory_space<semaphore_mem>>) src(%dma_wait3A_225 : memref<32x1024xf32, #tpu.memory_space<vmem>>) dst(%dma_wait3A_221 : memref<32x1024xf32, #tpu.memory_space<hbm>>)
    %add3A_226 = arith.constant 960 : i32
    %add3A_227 = arith.addi %mul3A_2, %add3A_226 : i32
    %dma_wait3A_228 = arith.constant 0 : i32
    %dma_wait3A_229 = arith.constant 0 : i32
    %dma_wait3A_230 = arith.constant 0 : i32
    %dma_wait3A_231 = tpu.memref_slice %arg6[%dma_wait3A_228, %dma_wait3A_229, %dma_wait3A_230] : memref<3x32x1024xf32, #tpu.memory_space<vmem>> -> memref<1x32x1024xf32, #tpu.memory_space<vmem>>
    %dma_wait3A_232 = tpu.memref_squeeze %dma_wait3A_231 : memref<1x32x1024xf32, #tpu.memory_space<vmem>> -> memref<32x1024xf32, #tpu.memory_space<vmem>>
    %dma_wait3A_233 = arith.constant 0 : i32
    %dma_wait3A_234 = tpu.memref_slice %arg4[%add3A_227, %dma_wait3A_233] : memref<32768x1024xf32, #tpu.memory_space<hbm>> -> memref<32x1024xf32, #tpu.memory_space<hbm>>
    %dma_wait3A_235 = arith.constant 0 : i32
    %dma_wait3A_236 = tpu.memref_slice %arg4[%add3A_227, %dma_wait3A_235] : memref<32768x1024xf32, #tpu.memory_space<hbm>> -> memref<32x1024xf32, #tpu.memory_space<hbm>>
    %dma_wait3A_237 = arith.constant 0 : i32
    %dma_wait3A_238 = arith.constant 0 : i32
    %dma_wait3A_239 = tpu.memref_slice %arg6[%dma_wait3A_228, %dma_wait3A_237, %dma_wait3A_238] : memref<3x32x1024xf32, #tpu.memory_space<vmem>> -> memref<1x32x1024xf32, #tpu.memory_space<vmem>>
    %dma_wait3A_240 = tpu.memref_squeeze %dma_wait3A_239 : memref<1x32x1024xf32, #tpu.memory_space<vmem>> -> memref<32x1024xf32, #tpu.memory_space<vmem>>
    tpu.wait_dma2 semaphore(%arg10 : memref<!tpu.dma_semaphore, #tpu.memory_space<semaphore_mem>>) src(%dma_wait3A_240 : memref<32x1024xf32, #tpu.memory_space<vmem>>) dst(%dma_wait3A_236 : memref<32x1024xf32, #tpu.memory_space<hbm>>)
    %add3A_241 = arith.constant 992 : i32
    %add3A_242 = arith.addi %mul3A_2, %add3A_241 : i32
    %dma_wait3A_243 = arith.constant 1 : i32
    %dma_wait3A_244 = arith.constant 0 : i32
    %dma_wait3A_245 = arith.constant 0 : i32
    %dma_wait3A_246 = tpu.memref_slice %arg6[%dma_wait3A_243, %dma_wait3A_244, %dma_wait3A_245] : memref<3x32x1024xf32, #tpu.memory_space<vmem>> -> memref<1x32x1024xf32, #tpu.memory_space<vmem>>
    %dma_wait3A_247 = tpu.memref_squeeze %dma_wait3A_246 : memref<1x32x1024xf32, #tpu.memory_space<vmem>> -> memref<32x1024xf32, #tpu.memory_space<vmem>>
    %dma_wait3A_248 = arith.constant 0 : i32
    %dma_wait3A_249 = tpu.memref_slice %arg4[%add3A_242, %dma_wait3A_248] : memref<32768x1024xf32, #tpu.memory_space<hbm>> -> memref<32x1024xf32, #tpu.memory_space<hbm>>
    %dma_wait3A_250 = arith.constant 0 : i32
    %dma_wait3A_251 = tpu.memref_slice %arg4[%add3A_242, %dma_wait3A_250] : memref<32768x1024xf32, #tpu.memory_space<hbm>> -> memref<32x1024xf32, #tpu.memory_space<hbm>>
    %dma_wait3A_252 = arith.constant 0 : i32
    %dma_wait3A_253 = arith.constant 0 : i32
    %dma_wait3A_254 = tpu.memref_slice %arg6[%dma_wait3A_243, %dma_wait3A_252, %dma_wait3A_253] : memref<3x32x1024xf32, #tpu.memory_space<vmem>> -> memref<1x32x1024xf32, #tpu.memory_space<vmem>>
    %dma_wait3A_255 = tpu.memref_squeeze %dma_wait3A_254 : memref<1x32x1024xf32, #tpu.memory_space<vmem>> -> memref<32x1024xf32, #tpu.memory_space<vmem>>
    tpu.wait_dma2 semaphore(%arg11 : memref<!tpu.dma_semaphore, #tpu.memory_space<semaphore_mem>>) src(%dma_wait3A_255 : memref<32x1024xf32, #tpu.memory_space<vmem>>) dst(%dma_wait3A_251 : memref<32x1024xf32, #tpu.memory_space<hbm>>)
    return
  }
}

</mosaic_0001>

<sc_bundles>
// kernel: _embed_lookup.3.cloned.1.call-start
scs
__scs_entry_jumppad:
0x0: {  	(pc) =	sbr.rel $0x88, $3  }
0x1: {  	(tag) =	ssettag $0x0;
	lr =	simm.s32 $0x1  }
0x2: {  	[smem:$0x3F9F] =	sst lr;
	_ =	strace $0xD0000000  }
0x3: {  	_ = 	snop  }
0x4: {  	_ = 	snop  }
0x5: {  	_ = 	snop  }
0x6: {  	_ = 	snop  }
0x7: {  	_ = 	snop  }
__scs_overlays_trampoline_lowered:
0x8: {  	[smem:$0x3FAE] =	sst s0  }
0x9: {  	[smem:$0x3FAF] =	sst s1  }
0xa: {  	[smem:$0x3FB0] =	sst s2  }
0xb: {  	[smem:$0x3FB1] =	sst s3  }
0xc: {  	[smem:$0x3FB2] =	sst s4  }
0xd: {  	[smem:$0x3FB3] =	sst s5  }
0xe: {  	[smem:$0x3FB4] =	sst s6  }
0xf: {  	[smem:$0x3FB5] =	sst s7  }
0x10: {  	[smem:$0x3FB6] =	sst s8  }
0x11: {  	[smem:$0x3FB7] =	sst s9;
	s0 =	simm.s32 @!p0 $0x0  }
0x12: {  	s1 =	sld [smem:$0x3F9D];
	s0 =	simm.s32 @p0 $0x1  }
0x13: {  	[smem:$0x3FB8] =	sst s0;
	s0 =	simm.s32 @!p1 $0x0  }
0x14: {  	s2 =	sld [smem:$0x3F9C];
	s0 =	simm.s32 @p1 $0x1  }
0x15: {  	[smem:$0x3FB9] =	sst s0;
	s0 =	simm.s32 @!p2 $0x0  }
0x16: {  	s3 =	sld [smem:$0x3FDB];
	s0 =	simm.s32 @p2 $0x1  }
0x17: {  	s4 =	simm.s32 $0x1BF5;
	[smem:$0x3FBB] =	sst s0  }
0x18: {  	s0 =	sld [smem:$0x3F9E];
	_ =	swait.ge [sflag:s4], $0x0  }
0x19: {  	s7 =	sld [smem:$0x3F9F]  }
0x1a: {  	s8 =	sadd.s32 $0xFFFFE003, lr  }
0x1b: {  	s9 =	sadd.s32 $0xFFFFFEF7, lr;
	s5 =	simm.s32 $0xFFFFFFFF;
	p2 =	slt.u32 s8, $0xFFFFF086  }
0x1c: {  	p1 =	slt.u32 s9, $0xF7A;
	s5 =	simm.s32 @!p2 $0x0  }
0x1d: {  	s5 =	simm.s32 @p1 $0x1;
	p0 =	seq.s32 s7, s2  }
0x1e: {  	s7 =	smul.u32 @!p0 $0xF7A, s2;
	p2 =	seq.s32 @!p0 s5, $0x0  }
0x1f: {  	s9 =	smul.u32 $0xF7A, s1;
	s8 =	simm.s32 @!p0 $0x1BF5;
	p2 =	por !p2, p0  }
0x20: {  	[sflag:s8] =	ssyncset.s32 @!p0 $0xFFFFF086;
	s6 =	sadd.s32 @!p0 s3, s7;
	s7 =	simm.s32 @!p0 $0x108  }
0x21: {  	s3 =	sadd.s32 s3, s9;
	s6 =	sadd.s32 @!p0 $0x88, s6;
	s7 =	simm.s32 @p2 $0x1082  }
0x22: {  	[simem:s7], [sflag:s8] =	dma.local @!p0 [hbm:s6], $0xF7A  }
0x23: {  	s9 =	sor.u32 $0xD0000000, s2;
	s6 =	simm.s32 $0x108;
	_ =	swait.ge @!p0 [sflag:s8], $0x0  }
0x24: {  	s3 =	sadd.s32 $0x88, s3;
	s6 =	simm.s32 @!p1 $0x1082;
	[sflag:s4] =	ssyncset.s32 $0xFFFFF086  }
0x25: {  	[simem:s6], [sflag:s4] =	dma.local [hbm:s3], $0xF7A  }
0x26: {  	[smem:$0x3F9F] =	sst s1;
	(tag) =	ssettag s2;
	_ =	strace s9  }
0x27: {  	s1 =	sld [smem:$0x3FAF]  }
0x28: {  	s2 =	sld [smem:$0x3FB0]  }
0x29: {  	s4 =	sld [smem:$0x3FB2]  }
0x2a: {  	p0 =	seq.s32 s5, $0x0;
	s5 =	sld [smem:$0x3FB3]  }
0x2b: {  	s6 =	sld [smem:$0x3FB4]  }
0x2c: {  	s7 =	sld [smem:$0x3FB5]  }
0x2d: {  	s3 =	simm.s32 $0x108;
	s8 =	sld [smem:$0x3FB6]  }
0x2e: {  	s3 =	simm.s32 @!p0 $0x1082;
	s9 =	sld [smem:$0x3FB7]  }
0x2f: {  	lr =	sadd.s32 s0, s3;
	s0 =	sld [smem:$0x3FAE]  }
0x30: {  	s3 =	sld [smem:$0x3FB1]  }
0x31: {  	[smem:$0x3FBA] =	sst s10  }
0x32: {  	s10 =	sld [smem:$0x3FB8];
	_ =	sdelay $0x3  }
0x33: {  	p0 =	seq.s32 s10, $0x1;
	s10 =	sld [smem:$0x3FBA];
	_ =	sdelay $0x3  }
0x34: {  	[smem:$0x3FBA] =	sst s10  }
0x35: {  	s10 =	sld [smem:$0x3FB9];
	_ =	sdelay $0x3  }
0x36: {  	p1 =	seq.s32 s10, $0x1;
	s10 =	sld [smem:$0x3FBA];
	_ =	sdelay $0x3  }
0x37: {  	[smem:$0x3FBA] =	sst s10  }
0x38: {  	s10 =	sld [smem:$0x3FBB]  }
0x39: {  	_ = 	snop;
	(pc) =	sbr.ind lr, $3  }
0x3a: {  	_ = 	snop  }
0x3b: {  	_ = 	snop  }
0x3c: {  	p2 =	seq.s32 s10, $0x1;
	s10 =	sld [smem:$0x3FBA]  }
0x3d: {  	_ =	shalt  }
0x3e: {  	_ =	shalt  }
0x3f: {  	_ =	shalt  }
0x40: {  	_ =	shalt  }
0x41: {  	_ =	shalt  }
0x42: {  	_ =	shalt  }
0x43: {  	_ =	shalt  }
0x44: {  	_ =	shalt  }
0x45: {  	_ =	shalt  }
0x46: {  	_ =	shalt  }
0x47: {  	_ =	shalt  }
0x48: {  	_ =	shalt  }
0x49: {  	_ =	shalt  }
0x4a: {  	_ =	shalt  }
0x4b: {  	_ =	shalt  }
0x4c: {  	_ =	shalt  }
0x4d: {  	_ =	shalt  }
0x4e: {  	_ =	shalt  }
0x4f: {  	_ =	shalt  }
0x50: {  	_ =	shalt  }
0x51: {  	_ =	shalt  }
0x52: {  	_ =	shalt  }
0x53: {  	_ =	shalt  }
0x54: {  	_ =	shalt  }
0x55: {  	_ =	shalt  }
0x56: {  	_ =	shalt  }
0x57: {  	_ =	shalt  }
0x58: {  	_ =	shalt  }
0x59: {  	_ =	shalt  }
0x5a: {  	_ =	shalt  }
0x5b: {  	_ =	shalt  }
0x5c: {  	_ =	shalt  }
0x5d: {  	_ =	shalt  }
0x5e: {  	_ =	shalt  }
0x5f: {  	_ =	shalt  }
0x60: {  	_ =	shalt  }
0x61: {  	_ =	shalt  }
0x62: {  	_ =	shalt  }
0x63: {  	_ =	shalt  }
0x64: {  	_ =	shalt  }
0x65: {  	_ =	shalt  }
0x66: {  	_ =	shalt  }
0x67: {  	_ =	shalt  }
0x68: {  	_ =	shalt  }
0x69: {  	_ =	shalt  }
0x6a: {  	_ =	shalt  }
0x6b: {  	_ =	shalt  }
0x6c: {  	_ =	shalt  }
0x6d: {  	_ =	shalt  }
0x6e: {  	_ =	shalt  }
0x6f: {  	_ =	shalt  }
0x70: {  	_ =	shalt  }
0x71: {  	_ =	shalt  }
0x72: {  	_ =	shalt  }
0x73: {  	_ =	shalt  }
0x74: {  	_ =	shalt  }
0x75: {  	_ =	shalt  }
0x76: {  	_ =	shalt  }
0x77: {  	_ =	shalt  }
0x78: {  	_ =	shalt  }
0x79: {  	_ =	shalt  }
0x7a: {  	_ =	shalt  }
0x7b: {  	_ =	shalt  }
0x7c: {  	_ =	shalt  }
0x7d: {  	_ =	shalt  }
0x7e: {  	_ =	shalt  }
0x7f: {  	_ =	shalt  }
0x80: {  	_ =	shalt  }
0x81: {  	_ =	shalt  }
0x82: {  	_ =	shalt  }
0x83: {  	_ =	shalt  }
0x84: {  	_ =	shalt  }
0x85: {  	_ =	shalt  }
0x86: {  	_ =	shalt  }
0x87: {  	_ =	shalt  }
.Lfunc_end0:
.L_simem_size_0:
called_computation_lowered:
.L_overlay_start_0:
0x88: {  	s2 =	sld [smem:$0x3FD9]  }
0x89: {  	s3 =	sld [smem:$0x3FFE];
	_ =	sdelay $0x1  }
0x8a: {  	s1 =	srdreg.scid  }
0x8b: {  	s0 =	sand.u32 $0x1, s1  }
0x8c: {  	s18 =	sshll.u32 s0, $0xA;
	s2 =	sadd.s32 s3, s2  }
0x8d: {  	s2 =	sadd.s32 s2, s18  }
0x8e: {  	[smem:$0x3FC6] =	sst s2  }
0x8f: {  	_ = 	snop  }
0x90: {  	s2 =	sld [smem:$0x3FC9]  }
0x91: {  	s19 =	sld [smem:$0x3FC8]  }
0x92: {  	s4 =	sld [smem:$0x3FD0];
	(tm) =	ssettm $0x1  }
0x93: {  	s5 =	sld [smem:$0x3FFB];
	_ =	sdelay $0x3  }
0x94: {  	_ =	strace s5  }
0x95: {  	s5 =	sld [smem:$0x3FFC];
	_ =	sdelay $0x3  }
0x96: {  	_ =	strace s5  }
0x97: {  	s5 =	sld [smem:$0x3FFD];
	_ =	sdelay $0x3  }
0x98: {  	_ =	strace s5  }
0x99: {  	_ =	strace $0x8FFFFFFF  }
0x9a: {  	s20 =	sld [smem:$0x3FDB];
	_ =	sdelay $0x1  }
0x9b: {  	s6 =	simm.s32 $_scs_section_size  }
0x9c: {  	s7 =	simm.s32 $_size__tile_overlayer_lowered;
	s8 =	simm.s32 $_tile_overlayer_lowered  }
0x9d: {  	s23 =	simm.s32 $0x1BFF;
	s22 =	sshll.u32 s8, $0x1;
	s5 =	sadd.s32 s6, s20  }
0x9e: {  	s9 =	simm.s32 $0x0;
	s21 =	sshll.u32 s7, $0x1;
	s7 =	sadd.s32 s22, s5  }
0x9f: {  	[timem:s9], [sflag:s23] =	dma.local [hbm:s7], s21  }
0xa0: {  	_ =	swait.ge [sflag:s23], s21  }
0xa1: {  	s6 =	ssub.s32 $0x0, s21;
	[sflag:s23] =	ssyncset.done $0x0  }
0xa2: {  	[sflag:s23] =	ssyncadd.s32 s6;
	_ =	sdelay $0x1  }
0xa3: {  	s24 =	simm.s32 $0x1B8B  }
0xa4: {  	_ =	swait.ge [sflag:s24], $0x1  }
0xa5: {  	[sflag:s24] =	ssyncset.done $0x0  }
0xa6: {  	s25 =	simm.s32 $0x1B8E;
	[sflag:s24] =	ssyncadd.s32 $0xFFFFFFFF  }
0xa7: {  	s26 =	simm.s32 $execute0_lowered;
	[smem:$0x3FD2] =	sst s25  }
0xa8: {  	s6 =	sshll.u32 s26, $0x1;
	_ =	strace $0x80000046;
	[dreg:$0x1] =	wrdreg $0xFFFFFFFF  }
0xa9: {  	s28 =	simm.s32 $_size_execute0_lowered;
	s5 =	sadd.s32 s5, s6;
	[dreg:$0x0] =	wrdreg $0x0  }
0xaa: {  	s6 =	sshll.u32 s28, $0x1;
	[dreg:$0x2] =	wrdreg s5  }
0xab: {  	[dreg:$0x3] =	wrdreg s6  }
0xac: {  	[dreg:$0x4] =	wrdreg $0xC0  }
0xad: {  	_ =	task [dreg:s9], $0x5FFFF  }
0xae: {  	[dreg:$0x1] =	wrdreg $0xFFFFFFFF  }
0xaf: {  	[dreg:$0x0] =	wrdreg $0x60  }
0xb0: {  	[dreg:$0x2] =	wrdreg s2  }
0xb1: {  	[dreg:$0x3] =	wrdreg s19  }
0xb2: {  	[dreg:$0x4] =	wrdreg s4  }
0xb3: {  	[dreg:$0x5] =	wrdreg $0x9  }
0xb4: {  	_ =	task.clear_ibuf [dreg:s9], $0x6FFFF;
	_ =	strace $0x90000046  }
0xb5: {  	s29 =	simm.s32 $0x9;
	_ =	strace $0x80000048  }
0xb6: {  	_ =	swait.ge [sflag:s29], $0x1  }
0xb7: {  	[sflag:s29] =	ssyncadd.s32 $0xFFFFFFFF  }
0xb8: {  	_ =	strace $0x90000048  }
0xb9: {  	_ =	sfence  }
0xba: {  	s30 =	sld [smem:$0x0];
	_ =	sdelay $0x2  }
0xbb: {  	s31 =	sshll.u32 s1, $0xD;
	s1 =	sshrl.u32 s1, $0x2  }
0xbc: {  	s3 =	sand.u32 $0x4000, s31;
	s1 =	sadd.s32 s1, s30  }
0xbd: {  	s0 =	sor.u32 s3, s0;
	s1 =	sshll.u32 s1, $0x11  }
0xbe: {  	s0 =	sor.u32 s1, s0  }
0xbf: {  	s0 =	sadd.s32 $0x8F2B, s0  }
0xc0: {  	[sflag:s0] =	ssyncadd.remote.s32 $0x1  }
0xc1: {  	_ =	sfence.sel $0xFFFF  }
0xc2: {  	[dreg:$0x0] =	wrdreg $0xFFFFFFFF;
	(pc) =	sbr.abs _section_cstart, $3  }
0xc3: {  	[dreg:$0x1] =	wrdreg $0xFFFFFFFF  }
0xc4: {  	_ =	task.clear_ibuf [dreg:s9], $0x2FFFF;
	_ =	strace $0x9FFFFFFF  }
0xc5: {  	(tm) =	ssettm $0x7FFFFFFF  }
tec
execute0_lowered:
.L_overlay_start_1:
0x0: {  	(tag) =	ssettag $0x1  }
0x1: {  	s0 =	rddreg [dreg:$0x0]  }
0x2: {  	s1 =	rddreg [dreg:$0x1]  }
0x3: {  	s2 =	rddreg [dreg:$0x2];
	s4 =	srdreg.scid  }
0x4: {  	s3 =	simm.s32 $0x0;
	s9 =	stileid.u32;
	s29 =	simm.s32 $0x8400  }
0x5: {  	s30 =	simm.s32 $0x10C00;
	s16 =	simm.s32 $0x11400;
	s17 =	simm.s32 $0x11C00  }
0x6: {  	s18 =	simm.s32 $0x12400;
	s11 =	simm.s32 $0x16C00;
	s15 =	simm.s32 $0x17C00  }
0x7: {  	s12 =	simm.s32 $0x1;
	s13 =	simm.s32 $0x2;
	s28 =	simm.s32 $0x6  }
0x8: {  	s31 =	simm.s32 $0x11C00;
	s4 =	sand.u32 $0x1, s4;
	s6 =	sshll.u32 s9, $0xB  }
0x9: {  	[smem:$0x7FF] =	sst s3;
	s22 =	sshll.u32 s9, $0x12;
	s9 =	simm.s32 $0x15400  }
0xa: {  	s5 =	ssub.s32 $0x2, s4;
	s7 =	sshll.u32 s4, $0xA;
	_ =	strace $0x80000047  }
0xb: {  	s24 =	sshll.u32 s4, $0x11;
	s4 =	simm.s32 $0x14400;
	s6 =	sor.u32 s7, s6  }
0xc: {  	s8 =	sshrl.u32 s5, $0x1;
	s7 =	sadd.s32 $0x300, s1;
	s19 =	sshrl.u32 s6, $0x3  }
0xd: {  	s8 =	ssub.s32 s5, s8;
	s20 =	sshll.u32 s6, $0x7;
	s0 =	sadd.s32 s0, s19  }
0xe: {  	s5 =	sadd.s32 $0x100, s1;
	s10 =	sadd.s32 s2, s20;
	[dreg:$0x5] =	wrdreg s0  }
0xf: {  	s6 =	sadd.s32 $0x200, s1;
	s26 =	smax.u32 s8, $0x1;
	[dreg:$0x6] =	wrdreg s10  }
0x10: {  	s19 =	simm.s32 $0x12C00;
	s0 =	sadd.s32 $0x1C000, s10;
	[dreg:$0xb] =	wrdreg s26  }
0x11: {  	s20 =	simm.s32 $0x13C00;
	s21 =	sadd.s32 $0x1D000, s10;
	[dreg:$0x7] =	wrdreg s0  }
0x12: {  	s8 =	simm.s32 $0x3;
	s23 =	sadd.s32 $0x1E000, s10;
	[dreg:$0x8] =	wrdreg s21  }
0x13: {  	s25 =	sadd.s32 $0x1F000, s10;
	s10 =	simm.s32 $0x15C00;
	[dreg:$0x9] =	wrdreg s23  }
0x14: {  	s26 =	simm.s32 $0x5;
	s0 =	sadd.s32 s22, s2;
	[dreg:$0xa] =	wrdreg s25  }
0x15: {  	v2 =	vlaneseq.u32;
	s22 =	simm.s32 $0x10400;
	s2 =	simm.s32 $0x13400;
	s21 =	simm.s32 $0x14C00  }
0x16: {  	vm0 =	vmmov $0xffff;
	v1 =	vshrl.u32 v2, $0x3;
	s23 =	simm.s32 $0x16400;
	s25 =	simm.s32 $0x4;
	s0 =	sadd.s32 s24, s0  }
0x17: {  	v0 =	vand.u32 $0x7, v2;
	v2 =	vor.u32 $0x8, v2;
	v1 =	vmul.u32 $0x8, v1;
	s24 =	simm.s32 $0x17400;
	[dreg:$0x4] =	wrdreg s0;
	s0 =	simm.s32 $0x0  }
.LBB2_1:
0x18: {  	[dreg:$0xc] =	wrdreg s0  }
0x19: {  	s14 =	rddreg [dreg:$0x5];
	s0 =	simm.s32 $0x7  }
0x1a: {  	[tilespmem:s3], [sflag:$0x7] =	stream.linear.gather [hbm4b:s14+s3], $0x400, $0x38;
	[tilespmem:$0x18400] =	vst v63  }
0x1b: {  	_ =	swait.ge [sflag:s0], $0x400  }
0x1c: {  	[sflag:s0] =	ssyncset.done $0x0  }
0x1d: {  	[sflag:s0] =	ssyncadd.s32 $0xFFFFFC00  }
0x1e: {  	v3 =	vld [tilespmem:$0x0];
	_ =	sdelay $0x4  }
0x1f: {  	v4 =	vshll.u32 v3, $0x3  }
0x20: {  	v3 =	vand.u32 $0x7, v3;
	v4 =	vand.u32 $0xFFFFFFC0, v4  }
0x21: {  	v3 =	vor.u32 v3, v4  }
0x22: {  	v4 =	vperm.xlane v3, v0;
	_ =	sdelay $0x1  }
0x23: {  	v4 =	vadd.s32 v1, v4;
	_ =	sdelay $0x3  }
0x24: {  	s0 =	simm.s32 $0x400  }
0x25: {  	[tilespmem:s0], [sflag:$0x1] =	stream.indirect_vreg.gather [hbm4b:s1+s3], $0x80, v4, vm0, $0xb8;
	[tilespmem:$0x18400] =	vst v63  }
0x26: {  	s14 =	simm.s32 $0xC00;
	v3 =	vperm.xlane v3, v2  }
0x27: {  	[tilespmem:s14], [sflag:$0x1] =	stream.indirect_vreg.gather [hbm4b:s5+s3], $0x80, v4, vm0, $0xb8;
	[tilespmem:$0x18400] =	vst v63  }
0x28: {  	v3 =	vadd.s32 v1, v3;
	s14 =	simm.s32 $0x1400  }
0x29: {  	[tilespmem:s14], [sflag:$0x1] =	stream.indirect_vreg.gather [hbm4b:s6+s3], $0x80, v4, vm0, $0xb8;
	[tilespmem:$0x18400] =	vst v63  }
0x2a: {  	s14 =	simm.s32 $0x1C00  }
0x2b: {  	[tilespmem:s14], [sflag:$0x1] =	stream.indirect_vreg.gather [hbm4b:s7+s3], $0x80, v4, vm0, $0xb8;
	[tilespmem:$0x18400] =	vst v63  }
0x2c: {  	s14 =	simm.s32 $0x2400  }
0x2d: {  	[tilespmem:s14], [sflag:$0x1] =	stream.indirect_vreg.gather [hbm4b:s1+s3], $0x80, v3, vm0, $0xb8;
	[tilespmem:$0x18400] =	vst v63  }
0x2e: {  	s14 =	simm.s32 $0x2C00  }
0x2f: {  	[tilespmem:s14], [sflag:$0x1] =	stream.indirect_vreg.gather [hbm4b:s5+s3], $0x80, v3, vm0, $0xb8;
	[tilespmem:$0x18400] =	vst v63  }
0x30: {  	s14 =	simm.s32 $0x3400  }
0x31: {  	[tilespmem:s14], [sflag:$0x1] =	stream.indirect_vreg.gather [hbm4b:s6+s3], $0x80, v3, vm0, $0xb8;
	[tilespmem:$0x18400] =	vst v63  }
0x32: {  	s14 =	simm.s32 $0x3C00  }
0x33: {  	[tilespmem:s14], [sflag:$0x1] =	stream.indirect_vreg.gather [hbm4b:s7+s3], $0x80, v3, vm0, $0xb8;
	[tilespmem:$0x18400] =	vst v63  }
0x34: {  	v3 =	vld [tilespmem:$0x10];
	_ =	sdelay $0x4  }
0x35: {  	v59 =	vshll.u32 v3, $0x3  }
0x36: {  	v3 =	vand.u32 $0x7, v3;
	v4 =	vand.u32 $0xFFFFFFC0, v59  }
0x37: {  	v3 =	vor.u32 v3, v4  }
0x38: {  	v4 =	vperm.xlane v3, v0;
	_ =	sdelay $0x1  }
0x39: {  	v4 =	vadd.s32 v1, v4;
	_ =	sdelay $0x3  }
0x3a: {  	s14 =	simm.s32 $0x4400  }
0x3b: {  	[tilespmem:s14], [sflag:$0x1] =	stream.indirect_vreg.gather [hbm4b:s1+s3], $0x80, v4, vm0, $0xb8;
	[tilespmem:$0x18400] =	vst v63  }
0x3c: {  	v3 =	vperm.xlane v3, v2;
	s14 =	simm.s32 $0x4C00  }
0x3d: {  	[tilespmem:s14], [sflag:$0x1] =	stream.indirect_vreg.gather [hbm4b:s5+s3], $0x80, v4, vm0, $0xb8;
	[tilespmem:$0x18400] =	vst v63  }
0x3e: {  	v3 =	vadd.s32 v1, v3;
	s14 =	simm.s32 $0x5400  }
0x3f: {  	[tilespmem:s14], [sflag:$0x1] =	stream.indirect_vreg.gather [hbm4b:s6+s3], $0x80, v4, vm0, $0xb8;
	[tilespmem:$0x18400] =	vst v63  }
0x40: {  	s14 =	simm.s32 $0x5C00  }
0x41: {  	[tilespmem:s14], [sflag:$0x1] =	stream.indirect_vreg.gather [hbm4b:s7+s3], $0x80, v4, vm0, $0xb8;
	[tilespmem:$0x18400] =	vst v63  }
0x42: {  	s14 =	simm.s32 $0x6400  }
0x43: {  	[tilespmem:s14], [sflag:$0x1] =	stream.indirect_vreg.gather [hbm4b:s1+s3], $0x80, v3, vm0, $0xb8;
	[tilespmem:$0x18400] =	vst v63  }
0x44: {  	s14 =	simm.s32 $0x6C00  }
0x45: {  	[tilespmem:s14], [sflag:$0x1] =	stream.indirect_vreg.gather [hbm4b:s5+s3], $0x80, v3, vm0, $0xb8;
	[tilespmem:$0x18400] =	vst v63  }
0x46: {  	s14 =	simm.s32 $0x7400  }
0x47: {  	[tilespmem:s14], [sflag:$0x1] =	stream.indirect_vreg.gather [hbm4b:s6+s3], $0x80, v3, vm0, $0xb8;
	[tilespmem:$0x18400] =	vst v63  }
0x48: {  	s14 =	simm.s32 $0x7C00  }
0x49: {  	[tilespmem:s14], [sflag:$0x1] =	stream.indirect_vreg.gather [hbm4b:s7+s3], $0x80, v3, vm0, $0xb8;
	[tilespmem:$0x18400] =	vst v63  }
0x4a: {  	v3 =	vld [tilespmem:$0x20];
	_ =	sdelay $0x4  }
0x4b: {  	v60 =	vshll.u32 v3, $0x3  }
0x4c: {  	v3 =	vand.u32 $0x7, v3;
	v4 =	vand.u32 $0xFFFFFFC0, v60  }
0x4d: {  	v3 =	vor.u32 v3, v4  }
0x4e: {  	v4 =	vperm.xlane v3, v0;
	_ =	sdelay $0x1  }
0x4f: {  	v4 =	vadd.s32 v1, v4;
	_ =	sdelay $0x4  }
0x50: {  	[tilespmem:s29], [sflag:$0x2] =	stream.indirect_vreg.gather [hbm4b:s1+s3], $0x80, v4, vm0, $0xb8;
	[tilespmem:$0x18400] =	vst v63  }
0x51: {  	s14 =	simm.s32 $0x8C00;
	v3 =	vperm.xlane v3, v2  }
0x52: {  	[tilespmem:s14], [sflag:$0x2] =	stream.indirect_vreg.gather [hbm4b:s5+s3], $0x80, v4, vm0, $0xb8;
	[tilespmem:$0x18400] =	vst v63  }
0x53: {  	v3 =	vadd.s32 v1, v3;
	s14 =	simm.s32 $0x9400  }
0x54: {  	[tilespmem:s14], [sflag:$0x2] =	stream.indirect_vreg.gather [hbm4b:s6+s3], $0x80, v4, vm0, $0xb8;
	[tilespmem:$0x18400] =	vst v63  }
0x55: {  	s14 =	simm.s32 $0x9C00  }
0x56: {  	[tilespmem:s14], [sflag:$0x2] =	stream.indirect_vreg.gather [hbm4b:s7+s3], $0x80, v4, vm0, $0xb8;
	[tilespmem:$0x18400] =	vst v63  }
0x57: {  	s14 =	simm.s32 $0xA400  }
0x58: {  	[tilespmem:s14], [sflag:$0x2] =	stream.indirect_vreg.gather [hbm4b:s1+s3], $0x80, v3, vm0, $0xb8;
	[tilespmem:$0x18400] =	vst v63  }
0x59: {  	s14 =	simm.s32 $0xAC00  }
0x5a: {  	[tilespmem:s14], [sflag:$0x2] =	stream.indirect_vreg.gather [hbm4b:s5+s3], $0x80, v3, vm0, $0xb8;
	[tilespmem:$0x18400] =	vst v63  }
0x5b: {  	s14 =	simm.s32 $0xB400  }
0x5c: {  	[tilespmem:s14], [sflag:$0x2] =	stream.indirect_vreg.gather [hbm4b:s6+s3], $0x80, v3, vm0, $0xb8;
	[tilespmem:$0x18400] =	vst v63  }
0x5d: {  	s14 =	simm.s32 $0xBC00  }
0x5e: {  	[tilespmem:s14], [sflag:$0x2] =	stream.indirect_vreg.gather [hbm4b:s7+s3], $0x80, v3, vm0, $0xb8;
	[tilespmem:$0x18400] =	vst v63  }
0x5f: {  	v3 =	vld [tilespmem:$0x30];
	_ =	sdelay $0x4  }
0x60: {  	v61 =	vshll.u32 v3, $0x3  }
0x61: {  	v3 =	vand.u32 $0x7, v3;
	v4 =	vand.u32 $0xFFFFFFC0, v61  }
0x62: {  	v3 =	vor.u32 v3, v4  }
0x63: {  	v4 =	vperm.xlane v3, v0;
	_ =	sdelay $0x1  }
0x64: {  	v4 =	vadd.s32 v1, v4;
	_ =	sdelay $0x3  }
0x65: {  	s14 =	simm.s32 $0xC400  }
0x66: {  	[tilespmem:s14], [sflag:$0x2] =	stream.indirect_vreg.gather [hbm4b:s1+s3], $0x80, v4, vm0, $0xb8;
	[tilespmem:$0x18400] =	vst v63  }
0x67: {  	v3 =	vperm.xlane v3, v2;
	s14 =	simm.s32 $0xCC00  }
0x68: {  	[tilespmem:s14], [sflag:$0x2] =	stream.indirect_vreg.gather [hbm4b:s5+s3], $0x80, v4, vm0, $0xb8;
	[tilespmem:$0x18400] =	vst v63  }
0x69: {  	v3 =	vadd.s32 v1, v3;
	s14 =	simm.s32 $0xD400  }
0x6a: {  	[tilespmem:s14], [sflag:$0x2] =	stream.indirect_vreg.gather [hbm4b:s6+s3], $0x80, v4, vm0, $0xb8;
	[tilespmem:$0x18400] =	vst v63  }
0x6b: {  	s14 =	simm.s32 $0xDC00  }
0x6c: {  	[tilespmem:s14], [sflag:$0x2] =	stream.indirect_vreg.gather [hbm4b:s7+s3], $0x80, v4, vm0, $0xb8;
	[tilespmem:$0x18400] =	vst v63  }
0x6d: {  	s14 =	simm.s32 $0xE400  }
0x6e: {  	[tilespmem:s14], [sflag:$0x2] =	stream.indirect_vreg.gather [hbm4b:s1+s3], $0x80, v3, vm0, $0xb8;
	[tilespmem:$0x18400] =	vst v63  }
0x6f: {  	s14 =	simm.s32 $0xEC00  }
0x70: {  	[tilespmem:s14], [sflag:$0x2] =	stream.indirect_vreg.gather [hbm4b:s5+s3], $0x80, v3, vm0, $0xb8;
	[tilespmem:$0x18400] =	vst v63  }
0x71: {  	s14 =	simm.s32 $0xF400  }
0x72: {  	[tilespmem:s14], [sflag:$0x2] =	stream.indirect_vreg.gather [hbm4b:s6+s3], $0x80, v3, vm0, $0xb8;
	[tilespmem:$0x18400] =	vst v63  }
0x73: {  	s14 =	simm.s32 $0xFC00  }
0x74: {  	[tilespmem:s14], [sflag:$0x2] =	stream.indirect_vreg.gather [hbm4b:s7+s3], $0x80, v3, vm0, $0xb8;
	[tilespmem:$0x18400] =	vst v63  }
0x75: {  	v3 =	vld [tilespmem:$0x40];
	_ =	sdelay $0x4  }
0x76: {  	v62 =	vshll.u32 v3, $0x3  }
0x77: {  	v3 =	vand.u32 $0x7, v3;
	v4 =	vand.u32 $0xFFFFFFC0, v62  }
0x78: {  	v3 =	vor.u32 v3, v4  }
0x79: {  	v4 =	vperm.xlane v3, v0;
	_ =	sdelay $0x1  }
0x7a: {  	v4 =	vadd.s32 v1, v4;
	_ =	sdelay $0x4  }
0x7b: {  	[tilespmem:s22], [sflag:$0x3] =	stream.indirect_vreg.gather [hbm4b:s1+s3], $0x80, v4, vm0, $0xb8;
	[tilespmem:$0x18400] =	vst v63  }
0x7c: {  	v3 =	vperm.xlane v3, v2  }
0x7d: {  	[tilespmem:s30], [sflag:$0x3] =	stream.indirect_vreg.gather [hbm4b:s5+s3], $0x80, v4, vm0, $0xb8;
	[tilespmem:$0x18400] =	vst v63  }
0x7e: {  	v3 =	vadd.s32 v1, v3  }
0x7f: {  	[tilespmem:s16], [sflag:$0x3] =	stream.indirect_vreg.gather [hbm4b:s6+s3], $0x80, v4, vm0, $0xb8;
	[tilespmem:$0x18400] =	vst v63  }
0x80: {  	_ = 	snop  }
0x81: {  	[tilespmem:s17], [sflag:$0x3] =	stream.indirect_vreg.gather [hbm4b:s7+s3], $0x80, v4, vm0, $0xb8;
	[tilespmem:$0x18400] =	vst v63  }
0x82: {  	_ = 	snop  }
0x83: {  	[tilespmem:s18], [sflag:$0x3] =	stream.indirect_vreg.gather [hbm4b:s1+s3], $0x80, v3, vm0, $0xb8;
	[tilespmem:$0x18400] =	vst v63  }
0x84: {  	_ = 	snop  }
0x85: {  	[tilespmem:s19], [sflag:$0x3] =	stream.indirect_vreg.gather [hbm4b:s5+s3], $0x80, v3, vm0, $0xb8;
	[tilespmem:$0x18400] =	vst v63  }
0x86: {  	_ = 	snop  }
0x87: {  	[tilespmem:s2], [sflag:$0x3] =	stream.indirect_vreg.gather [hbm4b:s6+s3], $0x80, v3, vm0, $0xb8;
	[tilespmem:$0x18400] =	vst v63  }
0x88: {  	_ = 	snop  }
0x89: {  	[tilespmem:s20], [sflag:$0x3] =	stream.indirect_vreg.gather [hbm4b:s7+s3], $0x80, v3, vm0, $0xb8;
	[tilespmem:$0x18400] =	vst v63  }
0x8a: {  	v3 =	vld [tilespmem:$0x50];
	_ =	sdelay $0x4  }
0x8b: {  	v63 =	vshll.u32 v3, $0x3  }
0x8c: {  	v3 =	vand.u32 $0x7, v3;
	v4 =	vand.u32 $0xFFFFFFC0, v63  }
0x8d: {  	v3 =	vor.u32 v3, v4  }
0x8e: {  	v4 =	vperm.xlane v3, v0;
	_ =	sdelay $0x1  }
0x8f: {  	v4 =	vadd.s32 v1, v4;
	_ =	sdelay $0x4  }
0x90: {  	[tilespmem:s4], [sflag:$0x3] =	stream.indirect_vreg.gather [hbm4b:s1+s3], $0x80, v4, vm0, $0xb8;
	[tilespmem:$0x18400] =	vst v63  }
0x91: {  	v3 =	vperm.xlane v3, v2  }
0x92: {  	[tilespmem:s21], [sflag:$0x3] =	stream.indirect_vreg.gather [hbm4b:s5+s3], $0x80, v4, vm0, $0xb8;
	[tilespmem:$0x18400] =	vst v63  }
0x93: {  	v3 =	vadd.s32 v1, v3  }
0x94: {  	[tilespmem:s9], [sflag:$0x3] =	stream.indirect_vreg.gather [hbm4b:s6+s3], $0x80, v4, vm0, $0xb8;
	[tilespmem:$0x18400] =	vst v63  }
0x95: {  	_ = 	snop  }
0x96: {  	[tilespmem:s10], [sflag:$0x3] =	stream.indirect_vreg.gather [hbm4b:s7+s3], $0x80, v4, vm0, $0xb8;
	[tilespmem:$0x18400] =	vst v63  }
0x97: {  	_ = 	snop  }
0x98: {  	[tilespmem:s23], [sflag:$0x3] =	stream.indirect_vreg.gather [hbm4b:s1+s3], $0x80, v3, vm0, $0xb8;
	[tilespmem:$0x18400] =	vst v63  }
0x99: {  	s29 =	simm.s32 $0x0;
	s14 =	simm.s32 $0xB0;
	s17 =	simm.s32 $0x11400  }
0x9a: {  	[tilespmem:s11], [sflag:$0x3] =	stream.indirect_vreg.gather [hbm4b:s5+s3], $0x80, v3, vm0, $0xb8;
	[tilespmem:$0x18400] =	vst v63  }
0x9b: {  	s19 =	simm.s32 $0x12C00;
	s2 =	simm.s32 $0x13400;
	s20 =	simm.s32 $0x13C00  }
0x9c: {  	[tilespmem:s24], [sflag:$0x3] =	stream.indirect_vreg.gather [hbm4b:s6+s3], $0x80, v3, vm0, $0xb8;
	[tilespmem:$0x18400] =	vst v63  }
0x9d: {  	s4 =	simm.s32 $0x14400;
	s21 =	simm.s32 $0x14C00;
	s9 =	simm.s32 $0x15400  }
0x9e: {  	[tilespmem:s15], [sflag:$0x3] =	stream.indirect_vreg.gather [hbm4b:s7+s3], $0x80, v3, vm0, $0xb8;
	[tilespmem:$0x18400] =	vst v63  }
0x9f: {  	s10 =	simm.s32 $0x15C00;
	s23 =	simm.s32 $0x16400;
	_ =	swait.ge [sflag:s12], $0x8000  }
0xa0: {  	s11 =	simm.s32 $0x16C00;
	s24 =	simm.s32 $0x17400;
	[sflag:s12] =	ssyncset.done $0x0  }
0xa1: {  	s15 =	simm.s32 $0x17C00;
	s30 =	rddreg [dreg:$0x6];
	[sflag:s12] =	ssyncadd.s32 $0xFFFF8000  }
0xa2: {  	[hbm4b:s30+s3] =	stream.linear.scatter [tilespmem:s0], [sflag:$0x4], $0x8000, $0x38;
	[tilespmem:$0x18400] =	vst v63  }
.LBB2_2:
0xa3: {  	_ =	swait.ge [sflag:s25], $0x8000  }
0xa4: {  	[sflag:s25] =	ssyncset.done $0x0  }
0xa5: {  	[sflag:s25] =	ssyncadd.s32 $0xFFFF8000  }
0xa6: {  	v3 =	vld [tilespmem:s14+$0xFFFFFFB0];
	_ =	sdelay $0x4  }
0xa7: {  	v4 =	vshll.u32 v3, $0x3  }
0xa8: {  	v3 =	vand.u32 $0x7, v3;
	v4 =	vand.u32 $0xFFFFFFC0, v4  }
0xa9: {  	v3 =	vor.u32 v3, v4  }
0xaa: {  	v4 =	vperm.xlane v3, v0;
	_ =	sdelay $0x1  }
0xab: {  	v4 =	vadd.s32 v1, v4;
	_ =	sdelay $0x3  }
0xac: {  	s0 =	simm.s32 $0x400  }
0xad: {  	[tilespmem:s0], [sflag:$0x1] =	stream.indirect_vreg.gather [hbm4b:s1+s3], $0x80, v4, vm0, $0xb8;
	[tilespmem:$0x18400] =	vst v63  }
0xae: {  	s16 =	simm.s32 $0xC00;
	v3 =	vperm.xlane v3, v2  }
0xaf: {  	[tilespmem:s16], [sflag:$0x1] =	stream.indirect_vreg.gather [hbm4b:s5+s3], $0x80, v4, vm0, $0xb8;
	[tilespmem:$0x18400] =	vst v63  }
0xb0: {  	s22 =	simm.s32 $0x1400;
	v3 =	vadd.s32 v1, v3  }
0xb1: {  	[tilespmem:s22], [sflag:$0x1] =	stream.indirect_vreg.gather [hbm4b:s6+s3], $0x80, v4, vm0, $0xb8;
	[tilespmem:$0x18400] =	vst v63  }
0xb2: {  	s18 =	simm.s32 $0x1C00  }
0xb3: {  	[tilespmem:s18], [sflag:$0x1] =	stream.indirect_vreg.gather [hbm4b:s7+s3], $0x80, v4, vm0, $0xb8;
	[tilespmem:$0x18400] =	vst v63  }
0xb4: {  	s22 =	simm.s32 $0x2400  }
0xb5: {  	[tilespmem:s22], [sflag:$0x1] =	stream.indirect_vreg.gather [hbm4b:s1+s3], $0x80, v3, vm0, $0xb8;
	[tilespmem:$0x18400] =	vst v63  }
0xb6: {  	s18 =	simm.s32 $0x2C00  }
0xb7: {  	[tilespmem:s18], [sflag:$0x1] =	stream.indirect_vreg.gather [hbm4b:s5+s3], $0x80, v3, vm0, $0xb8;
	[tilespmem:$0x18400] =	vst v63  }
0xb8: {  	s22 =	simm.s32 $0x3400  }
0xb9: {  	[tilespmem:s22], [sflag:$0x1] =	stream.indirect_vreg.gather [hbm4b:s6+s3], $0x80, v3, vm0, $0xb8;
	[tilespmem:$0x18400] =	vst v63  }
0xba: {  	s18 =	simm.s32 $0x3C00  }
0xbb: {  	[tilespmem:s18], [sflag:$0x1] =	stream.indirect_vreg.gather [hbm4b:s7+s3], $0x80, v3, vm0, $0xb8;
	[tilespmem:$0x18400] =	vst v63  }
0xbc: {  	v3 =	vld [tilespmem:s14+$0xFFFFFFC0];
	_ =	sdelay $0x4  }
0xbd: {  	v59 =	vshll.u32 v3, $0x3  }
0xbe: {  	v3 =	vand.u32 $0x7, v3;
	v4 =	vand.u32 $0xFFFFFFC0, v59  }
0xbf: {  	v3 =	vor.u32 v3, v4  }
0xc0: {  	v4 =	vperm.xlane v3, v0;
	_ =	sdelay $0x1  }
0xc1: {  	v4 =	vadd.s32 v1, v4;
	_ =	sdelay $0x3  }
0xc2: {  	s22 =	simm.s32 $0x4400  }
0xc3: {  	[tilespmem:s22], [sflag:$0x1] =	stream.indirect_vreg.gather [hbm4b:s1+s3], $0x80, v4, vm0, $0xb8;
	[tilespmem:$0x18400] =	vst v63  }
0xc4: {  	s18 =	simm.s32 $0x4C00;
	v3 =	vperm.xlane v3, v2  }
0xc5: {  	[tilespmem:s18], [sflag:$0x1] =	stream.indirect_vreg.gather [hbm4b:s5+s3], $0x80, v4, vm0, $0xb8;
	[tilespmem:$0x18400] =	vst v63  }
0xc6: {  	v3 =	vadd.s32 v1, v3;
	s22 =	simm.s32 $0x5400  }
0xc7: {  	[tilespmem:s22], [sflag:$0x1] =	stream.indirect_vreg.gather [hbm4b:s6+s3], $0x80, v4, vm0, $0xb8;
	[tilespmem:$0x18400] =	vst v63  }
0xc8: {  	s18 =	simm.s32 $0x5C00  }
0xc9: {  	[tilespmem:s18], [sflag:$0x1] =	stream.indirect_vreg.gather [hbm4b:s7+s3], $0x80, v4, vm0, $0xb8;
	[tilespmem:$0x18400] =	vst v63  }
0xca: {  	s22 =	simm.s32 $0x6400  }
0xcb: {  	[tilespmem:s22], [sflag:$0x1] =	stream.indirect_vreg.gather [hbm4b:s1+s3], $0x80, v3, vm0, $0xb8;
	[tilespmem:$0x18400] =	vst v63  }
0xcc: {  	s18 =	simm.s32 $0x6C00  }
0xcd: {  	[tilespmem:s18], [sflag:$0x1] =	stream.indirect_vreg.gather [hbm4b:s5+s3], $0x80, v3, vm0, $0xb8;
	[tilespmem:$0x18400] =	vst v63  }
0xce: {  	s22 =	simm.s32 $0x7400  }
0xcf: {  	[tilespmem:s22], [sflag:$0x1] =	stream.indirect_vreg.gather [hbm4b:s6+s3], $0x80, v3, vm0, $0xb8;
	[tilespmem:$0x18400] =	vst v63  }
0xd0: {  	s18 =	simm.s32 $0x7C00  }
0xd1: {  	[tilespmem:s18], [sflag:$0x1] =	stream.indirect_vreg.gather [hbm4b:s7+s3], $0x80, v3, vm0, $0xb8;
	[tilespmem:$0x18400] =	vst v63  }
0xd2: {  	_ =	swait.ge [sflag:s13], $0x8000  }
0xd3: {  	s22 =	rddreg [dreg:$0x4]  }
0xd4: {  	[sflag:s13] =	ssyncset.done $0x0;
	s16 =	sadd.s32 s29, s22  }
0xd5: {  	[sflag:s13] =	ssyncadd.s32 $0xFFFF8000;
	s22 =	simm.s32 $0x8400;
	s30 =	sadd.s32 $0x1000, s16  }
0xd6: {  	[hbm4b:s30+s3] =	stream.linear.scatter [tilespmem:s22], [sflag:$0x5], $0x8000, $0x38;
	[tilespmem:$0x18400] =	vst v63  }
0xd7: {  	_ =	swait.ge [sflag:s26], $0x8000  }
0xd8: {  	[sflag:s26] =	ssyncset.done $0x0  }
0xd9: {  	[sflag:s26] =	ssyncadd.s32 $0xFFFF8000  }
0xda: {  	v3 =	vld [tilespmem:s14+$0xFFFFFFD0];
	_ =	sdelay $0x4  }
0xdb: {  	v60 =	vshll.u32 v3, $0x3  }
0xdc: {  	v3 =	vand.u32 $0x7, v3;
	v4 =	vand.u32 $0xFFFFFFC0, v60  }
0xdd: {  	v3 =	vor.u32 v3, v4  }
0xde: {  	v4 =	vperm.xlane v3, v0;
	_ =	sdelay $0x1  }
0xdf: {  	v4 =	vadd.s32 v1, v4;
	_ =	sdelay $0x4  }
0xe0: {  	[tilespmem:s22], [sflag:$0x2] =	stream.indirect_vreg.gather [hbm4b:s1+s3], $0x80, v4, vm0, $0xb8;
	[tilespmem:$0x18400] =	vst v63  }
0xe1: {  	s30 =	simm.s32 $0x8C00;
	v3 =	vperm.xlane v3, v2  }
0xe2: {  	[tilespmem:s30], [sflag:$0x2] =	stream.indirect_vreg.gather [hbm4b:s5+s3], $0x80, v4, vm0, $0xb8;
	[tilespmem:$0x18400] =	vst v63  }
0xe3: {  	v3 =	vadd.s32 v1, v3;
	s30 =	simm.s32 $0x9400  }
0xe4: {  	[tilespmem:s30], [sflag:$0x2] =	stream.indirect_vreg.gather [hbm4b:s6+s3], $0x80, v4, vm0, $0xb8;
	[tilespmem:$0x18400] =	vst v63  }
0xe5: {  	s30 =	simm.s32 $0x9C00  }
0xe6: {  	[tilespmem:s30], [sflag:$0x2] =	stream.indirect_vreg.gather [hbm4b:s7+s3], $0x80, v4, vm0, $0xb8;
	[tilespmem:$0x18400] =	vst v63  }
0xe7: {  	s30 =	simm.s32 $0xA400  }
0xe8: {  	[tilespmem:s30], [sflag:$0x2] =	stream.indirect_vreg.gather [hbm4b:s1+s3], $0x80, v3, vm0, $0xb8;
	[tilespmem:$0x18400] =	vst v63  }
0xe9: {  	s30 =	simm.s32 $0xAC00  }
0xea: {  	[tilespmem:s30], [sflag:$0x2] =	stream.indirect_vreg.gather [hbm4b:s5+s3], $0x80, v3, vm0, $0xb8;
	[tilespmem:$0x18400] =	vst v63  }
0xeb: {  	s30 =	simm.s32 $0xB400  }
0xec: {  	[tilespmem:s30], [sflag:$0x2] =	stream.indirect_vreg.gather [hbm4b:s6+s3], $0x80, v3, vm0, $0xb8;
	[tilespmem:$0x18400] =	vst v63  }
0xed: {  	s30 =	simm.s32 $0xBC00  }
0xee: {  	[tilespmem:s30], [sflag:$0x2] =	stream.indirect_vreg.gather [hbm4b:s7+s3], $0x80, v3, vm0, $0xb8;
	[tilespmem:$0x18400] =	vst v63  }
0xef: {  	v3 =	vld [tilespmem:s14+$0xFFFFFFE0];
	_ =	sdelay $0x4  }
0xf0: {  	v61 =	vshll.u32 v3, $0x3  }
0xf1: {  	v3 =	vand.u32 $0x7, v3;
	v4 =	vand.u32 $0xFFFFFFC0, v61  }
0xf2: {  	v3 =	vor.u32 v3, v4  }
0xf3: {  	v4 =	vperm.xlane v3, v0;
	_ =	sdelay $0x1  }
0xf4: {  	v4 =	vadd.s32 v1, v4;
	_ =	sdelay $0x3  }
0xf5: {  	s30 =	simm.s32 $0xC400  }
0xf6: {  	[tilespmem:s30], [sflag:$0x2] =	stream.indirect_vreg.gather [hbm4b:s1+s3], $0x80, v4, vm0, $0xb8;
	[tilespmem:$0x18400] =	vst v63  }
0xf7: {  	v3 =	vperm.xlane v3, v2;
	s30 =	simm.s32 $0xCC00  }
0xf8: {  	[tilespmem:s30], [sflag:$0x2] =	stream.indirect_vreg.gather [hbm4b:s5+s3], $0x80, v4, vm0, $0xb8;
	[tilespmem:$0x18400] =	vst v63  }
0xf9: {  	v3 =	vadd.s32 v1, v3;
	s30 =	simm.s32 $0xD400  }
0xfa: {  	[tilespmem:s30], [sflag:$0x2] =	stream.indirect_vreg.gather [hbm4b:s6+s3], $0x80, v4, vm0, $0xb8;
	[tilespmem:$0x18400] =	vst v63  }
0xfb: {  	s30 =	simm.s32 $0xDC00  }
0xfc: {  	[tilespmem:s30], [sflag:$0x2] =	stream.indirect_vreg.gather [hbm4b:s7+s3], $0x80, v4, vm0, $0xb8;
	[tilespmem:$0x18400] =	vst v63  }
0xfd: {  	s30 =	simm.s32 $0xE400  }
0xfe: {  	[tilespmem:s30], [sflag:$0x2] =	stream.indirect_vreg.gather [hbm4b:s1+s3], $0x80, v3, vm0, $0xb8;
	[tilespmem:$0x18400] =	vst v63  }
0xff: {  	s30 =	simm.s32 $0xEC00  }
0x100: {  	[tilespmem:s30], [sflag:$0x2] =	stream.indirect_vreg.gather [hbm4b:s5+s3], $0x80, v3, vm0, $0xb8;
	[tilespmem:$0x18400] =	vst v63  }
0x101: {  	s30 =	simm.s32 $0xF400  }
0x102: {  	[tilespmem:s30], [sflag:$0x2] =	stream.indirect_vreg.gather [hbm4b:s6+s3], $0x80, v3, vm0, $0xb8;
	[tilespmem:$0x18400] =	vst v63  }
0x103: {  	s30 =	simm.s32 $0xFC00  }
0x104: {  	[tilespmem:s30], [sflag:$0x2] =	stream.indirect_vreg.gather [hbm4b:s7+s3], $0x80, v3, vm0, $0xb8;
	[tilespmem:$0x18400] =	vst v63  }
0x105: {  	_ =	swait.ge [sflag:s8], $0x8000  }
0x106: {  	[sflag:s8] =	ssyncset.done $0x0  }
0x107: {  	s18 =	simm.s32 $0x10400;
	s30 =	sadd.s32 $0x2000, s16;
	[sflag:s8] =	ssyncadd.s32 $0xFFFF8000  }
0x108: {  	[hbm4b:s30+s3] =	stream.linear.scatter [tilespmem:s18], [sflag:$0x6], $0x8000, $0x38;
	[tilespmem:$0x18400] =	vst v63  }
0x109: {  	_ =	swait.ge [sflag:s28], $0x8000  }
0x10a: {  	[sflag:s28] =	ssyncset.done $0x0  }
0x10b: {  	[sflag:s28] =	ssyncadd.s32 $0xFFFF8000  }
0x10c: {  	v3 =	vld [tilespmem:s14+$0xFFFFFFF0];
	_ =	sdelay $0x4  }
0x10d: {  	v62 =	vshll.u32 v3, $0x3  }
0x10e: {  	v3 =	vand.u32 $0x7, v3;
	v4 =	vand.u32 $0xFFFFFFC0, v62  }
0x10f: {  	v3 =	vor.u32 v3, v4  }
0x110: {  	v4 =	vperm.xlane v3, v0;
	_ =	sdelay $0x1  }
0x111: {  	v4 =	vadd.s32 v1, v4;
	_ =	sdelay $0x4  }
0x112: {  	[tilespmem:s18], [sflag:$0x3] =	stream.indirect_vreg.gather [hbm4b:s1+s3], $0x80, v4, vm0, $0xb8;
	[tilespmem:$0x18400] =	vst v63  }
0x113: {  	s30 =	simm.s32 $0x10C00;
	v3 =	vperm.xlane v3, v2  }
0x114: {  	[tilespmem:s30], [sflag:$0x3] =	stream.indirect_vreg.gather [hbm4b:s5+s3], $0x80, v4, vm0, $0xb8;
	[tilespmem:$0x18400] =	vst v63  }
0x115: {  	v3 =	vadd.s32 v1, v3  }
0x116: {  	[tilespmem:s17], [sflag:$0x3] =	stream.indirect_vreg.gather [hbm4b:s6+s3], $0x80, v4, vm0, $0xb8;
	[tilespmem:$0x18400] =	vst v63  }
0x117: {  	_ = 	snop  }
0x118: {  	[tilespmem:s31], [sflag:$0x3] =	stream.indirect_vreg.gather [hbm4b:s7+s3], $0x80, v4, vm0, $0xb8;
	[tilespmem:$0x18400] =	vst v63  }
0x119: {  	s18 =	simm.s32 $0x12400  }
0x11a: {  	[tilespmem:s18], [sflag:$0x3] =	stream.indirect_vreg.gather [hbm4b:s1+s3], $0x80, v3, vm0, $0xb8;
	[tilespmem:$0x18400] =	vst v63  }
0x11b: {  	_ = 	snop  }
0x11c: {  	[tilespmem:s19], [sflag:$0x3] =	stream.indirect_vreg.gather [hbm4b:s5+s3], $0x80, v3, vm0, $0xb8;
	[tilespmem:$0x18400] =	vst v63  }
0x11d: {  	_ = 	snop  }
0x11e: {  	[tilespmem:s2], [sflag:$0x3] =	stream.indirect_vreg.gather [hbm4b:s6+s3], $0x80, v3, vm0, $0xb8;
	[tilespmem:$0x18400] =	vst v63  }
0x11f: {  	_ = 	snop  }
0x120: {  	[tilespmem:s20], [sflag:$0x3] =	stream.indirect_vreg.gather [hbm4b:s7+s3], $0x80, v3, vm0, $0xb8;
	[tilespmem:$0x18400] =	vst v63  }
0x121: {  	v3 =	vld [tilespmem:s14+$0x0];
	_ =	sdelay $0x4  }
0x122: {  	v63 =	vshll.u32 v3, $0x3  }
0x123: {  	v3 =	vand.u32 $0x7, v3;
	v4 =	vand.u32 $0xFFFFFFC0, v63  }
0x124: {  	v3 =	vor.u32 v3, v4  }
0x125: {  	v4 =	vperm.xlane v3, v0;
	_ =	sdelay $0x1  }
0x126: {  	v4 =	vadd.s32 v1, v4;
	_ =	sdelay $0x4  }
0x127: {  	[tilespmem:s4], [sflag:$0x3] =	stream.indirect_vreg.gather [hbm4b:s1+s3], $0x80, v4, vm0, $0xb8;
	[tilespmem:$0x18400] =	vst v63  }
0x128: {  	v3 =	vperm.xlane v3, v2  }
0x129: {  	[tilespmem:s21], [sflag:$0x3] =	stream.indirect_vreg.gather [hbm4b:s5+s3], $0x80, v4, vm0, $0xb8;
	[tilespmem:$0x18400] =	vst v63  }
0x12a: {  	v3 =	vadd.s32 v1, v3  }
0x12b: {  	[tilespmem:s9], [sflag:$0x3] =	stream.indirect_vreg.gather [hbm4b:s6+s3], $0x80, v4, vm0, $0xb8;
	[tilespmem:$0x18400] =	vst v63  }
0x12c: {  	_ = 	snop  }
0x12d: {  	[tilespmem:s10], [sflag:$0x3] =	stream.indirect_vreg.gather [hbm4b:s7+s3], $0x80, v4, vm0, $0xb8;
	[tilespmem:$0x18400] =	vst v63  }
0x12e: {  	_ = 	snop  }
0x12f: {  	[tilespmem:s23], [sflag:$0x3] =	stream.indirect_vreg.gather [hbm4b:s1+s3], $0x80, v3, vm0, $0xb8;
	[tilespmem:$0x18400] =	vst v63  }
0x130: {  	_ = 	snop  }
0x131: {  	[tilespmem:s11], [sflag:$0x3] =	stream.indirect_vreg.gather [hbm4b:s5+s3], $0x80, v3, vm0, $0xb8;
	[tilespmem:$0x18400] =	vst v63  }
0x132: {  	_ = 	snop  }
0x133: {  	[tilespmem:s24], [sflag:$0x3] =	stream.indirect_vreg.gather [hbm4b:s6+s3], $0x80, v3, vm0, $0xb8;
	[tilespmem:$0x18400] =	vst v63  }
0x134: {  	p0 =	sne.s32 s29, $0x18000  }
0x135: {  	[tilespmem:s15], [sflag:$0x3] =	stream.indirect_vreg.gather [hbm4b:s7+s3], $0x80, v3, vm0, $0xb8;
	[tilespmem:$0x18400] =	vst v63  }
.Ltmp0:
0x136: {  	_ = 	snop;
	(pc) =	sbr.rel @p0 .LBB2_2-.Ltmp0, $4  }
0x137: {  	_ =	swait.ge [sflag:s12], $0x8000  }
0x138: {  	s29 =	sadd.s32 $0x3000, s29;
	s22 =	simm.s32 $0x10400;
	[sflag:s12] =	ssyncset.done $0x0  }
0x139: {  	s16 =	sadd.s32 $0x3000, s16;
	s14 =	sadd.s32 $0x60, s14;
	[sflag:s12] =	ssyncadd.s32 $0xFFFF8000  }
0x13a: {  	[hbm4b:s16+s3] =	stream.linear.scatter [tilespmem:s0], [sflag:$0x4], $0x8000, $0x38;
	[tilespmem:$0x18400] =	vst v63  }
0x13b: {  	_ =	swait.ge [sflag:s25], $0x8000  }
0x13c: {  	[sflag:s25] =	ssyncset.done $0x0  }
0x13d: {  	[sflag:s25] =	ssyncadd.s32 $0xFFFF8000  }
0x13e: {  	v3 =	vld [tilespmem:$0x3C0];
	_ =	sdelay $0x4  }
0x13f: {  	v4 =	vshll.u32 v3, $0x3  }
0x140: {  	v3 =	vand.u32 $0x7, v3;
	v4 =	vand.u32 $0xFFFFFFC0, v4  }
0x141: {  	v3 =	vor.u32 v3, v4  }
0x142: {  	v4 =	vperm.xlane v3, v0;
	_ =	sdelay $0x1  }
0x143: {  	v4 =	vadd.s32 v1, v4;
	_ =	sdelay $0x3  }
0x144: {  	s0 =	simm.s32 $0x400  }
0x145: {  	[tilespmem:s0], [sflag:$0x1] =	stream.indirect_vreg.gather [hbm4b:s1+s3], $0x80, v4, vm0, $0xb8;
	[tilespmem:$0x18400] =	vst v63  }
0x146: {  	s14 =	simm.s32 $0xC00;
	v3 =	vperm.xlane v3, v2  }
0x147: {  	[tilespmem:s14], [sflag:$0x1] =	stream.indirect_vreg.gather [hbm4b:s5+s3], $0x80, v4, vm0, $0xb8;
	[tilespmem:$0x18400] =	vst v63  }
0x148: {  	s17 =	simm.s32 $0x1400;
	v3 =	vadd.s32 v1, v3  }
0x149: {  	[tilespmem:s17], [sflag:$0x1] =	stream.indirect_vreg.gather [hbm4b:s6+s3], $0x80, v4, vm0, $0xb8;
	[tilespmem:$0x18400] =	vst v63  }
0x14a: {  	s18 =	simm.s32 $0x1C00  }
0x14b: {  	[tilespmem:s18], [sflag:$0x1] =	stream.indirect_vreg.gather [hbm4b:s7+s3], $0x80, v4, vm0, $0xb8;
	[tilespmem:$0x18400] =	vst v63  }
0x14c: {  	s19 =	simm.s32 $0x2400  }
0x14d: {  	[tilespmem:s19], [sflag:$0x1] =	stream.indirect_vreg.gather [hbm4b:s1+s3], $0x80, v3, vm0, $0xb8;
	[tilespmem:$0x18400] =	vst v63  }
0x14e: {  	s20 =	simm.s32 $0x2C00  }
0x14f: {  	[tilespmem:s20], [sflag:$0x1] =	stream.indirect_vreg.gather [hbm4b:s5+s3], $0x80, v3, vm0, $0xb8;
	[tilespmem:$0x18400] =	vst v63  }
0x150: {  	s21 =	simm.s32 $0x3400  }
0x151: {  	[tilespmem:s21], [sflag:$0x1] =	stream.indirect_vreg.gather [hbm4b:s6+s3], $0x80, v3, vm0, $0xb8;
	[tilespmem:$0x18400] =	vst v63  }
0x152: {  	s23 =	simm.s32 $0x3C00  }
0x153: {  	[tilespmem:s23], [sflag:$0x1] =	stream.indirect_vreg.gather [hbm4b:s7+s3], $0x80, v3, vm0, $0xb8;
	[tilespmem:$0x18400] =	vst v63  }
0x154: {  	v3 =	vld [tilespmem:$0x3D0];
	_ =	sdelay $0x4  }
0x155: {  	v61 =	vshll.u32 v3, $0x3  }
0x156: {  	v3 =	vand.u32 $0x7, v3;
	v4 =	vand.u32 $0xFFFFFFC0, v61  }
0x157: {  	v3 =	vor.u32 v3, v4  }
0x158: {  	v4 =	vperm.xlane v3, v0;
	_ =	sdelay $0x1  }
0x159: {  	v4 =	vadd.s32 v1, v4;
	_ =	sdelay $0x3  }
0x15a: {  	s24 =	simm.s32 $0x4400  }
0x15b: {  	[tilespmem:s24], [sflag:$0x1] =	stream.indirect_vreg.gather [hbm4b:s1+s3], $0x80, v4, vm0, $0xb8;
	[tilespmem:$0x18400] =	vst v63  }
0x15c: {  	s2 =	simm.s32 $0x4C00;
	v3 =	vperm.xlane v3, v2  }
0x15d: {  	[tilespmem:s2], [sflag:$0x1] =	stream.indirect_vreg.gather [hbm4b:s5+s3], $0x80, v4, vm0, $0xb8;
	[tilespmem:$0x18400] =	vst v63  }
0x15e: {  	s4 =	simm.s32 $0x5400;
	v3 =	vadd.s32 v1, v3  }
0x15f: {  	[tilespmem:s4], [sflag:$0x1] =	stream.indirect_vreg.gather [hbm4b:s6+s3], $0x80, v4, vm0, $0xb8;
	[tilespmem:$0x18400] =	vst v63  }
0x160: {  	s9 =	simm.s32 $0x5C00  }
0x161: {  	[tilespmem:s9], [sflag:$0x1] =	stream.indirect_vreg.gather [hbm4b:s7+s3], $0x80, v4, vm0, $0xb8;
	[tilespmem:$0x18400] =	vst v63  }
0x162: {  	s10 =	simm.s32 $0x6400  }
0x163: {  	[tilespmem:s10], [sflag:$0x1] =	stream.indirect_vreg.gather [hbm4b:s1+s3], $0x80, v3, vm0, $0xb8;
	[tilespmem:$0x18400] =	vst v63  }
0x164: {  	s11 =	simm.s32 $0x6C00  }
0x165: {  	[tilespmem:s11], [sflag:$0x1] =	stream.indirect_vreg.gather [hbm4b:s5+s3], $0x80, v3, vm0, $0xb8;
	[tilespmem:$0x18400] =	vst v63  }
0x166: {  	s15 =	simm.s32 $0x7400  }
0x167: {  	[tilespmem:s15], [sflag:$0x1] =	stream.indirect_vreg.gather [hbm4b:s6+s3], $0x80, v3, vm0, $0xb8;
	[tilespmem:$0x18400] =	vst v63  }
0x168: {  	s16 =	simm.s32 $0x7C00  }
0x169: {  	[tilespmem:s16], [sflag:$0x1] =	stream.indirect_vreg.gather [hbm4b:s7+s3], $0x80, v3, vm0, $0xb8;
	[tilespmem:$0x18400] =	vst v63  }
0x16a: {  	_ =	swait.ge [sflag:s13], $0x8000  }
0x16b: {  	[sflag:s13] =	ssyncset.done $0x0  }
0x16c: {  	s4 =	simm.s32 $0x8400;
	s17 =	rddreg [dreg:$0x7];
	[sflag:s13] =	ssyncadd.s32 $0xFFFF8000  }
0x16d: {  	[hbm4b:s17+s3] =	stream.linear.scatter [tilespmem:s4], [sflag:$0x5], $0x8000, $0x38;
	[tilespmem:$0x18400] =	vst v63  }
0x16e: {  	_ =	swait.ge [sflag:s26], $0x8000  }
0x16f: {  	[sflag:s26] =	ssyncset.done $0x0  }
0x170: {  	[sflag:s26] =	ssyncadd.s32 $0xFFFF8000  }
0x171: {  	v3 =	vld [tilespmem:$0x3E0];
	_ =	sdelay $0x4  }
0x172: {  	v62 =	vshll.u32 v3, $0x3  }
0x173: {  	v3 =	vand.u32 $0x7, v3;
	v4 =	vand.u32 $0xFFFFFFC0, v62  }
0x174: {  	v3 =	vor.u32 v3, v4  }
0x175: {  	v4 =	vperm.xlane v3, v0;
	_ =	sdelay $0x1  }
0x176: {  	v4 =	vadd.s32 v1, v4;
	_ =	sdelay $0x4  }
0x177: {  	[tilespmem:s4], [sflag:$0x2] =	stream.indirect_vreg.gather [hbm4b:s1+s3], $0x80, v4, vm0, $0xb8;
	[tilespmem:$0x18400] =	vst v63  }
0x178: {  	s18 =	simm.s32 $0x8C00;
	v3 =	vperm.xlane v3, v2  }
0x179: {  	[tilespmem:s18], [sflag:$0x2] =	stream.indirect_vreg.gather [hbm4b:s5+s3], $0x80, v4, vm0, $0xb8;
	[tilespmem:$0x18400] =	vst v63  }
0x17a: {  	s19 =	simm.s32 $0x9400;
	v3 =	vadd.s32 v1, v3  }
0x17b: {  	[tilespmem:s19], [sflag:$0x2] =	stream.indirect_vreg.gather [hbm4b:s6+s3], $0x80, v4, vm0, $0xb8;
	[tilespmem:$0x18400] =	vst v63  }
0x17c: {  	s20 =	simm.s32 $0x9C00  }
0x17d: {  	[tilespmem:s20], [sflag:$0x2] =	stream.indirect_vreg.gather [hbm4b:s7+s3], $0x80, v4, vm0, $0xb8;
	[tilespmem:$0x18400] =	vst v63  }
0x17e: {  	s21 =	simm.s32 $0xA400  }
0x17f: {  	[tilespmem:s21], [sflag:$0x2] =	stream.indirect_vreg.gather [hbm4b:s1+s3], $0x80, v3, vm0, $0xb8;
	[tilespmem:$0x18400] =	vst v63  }
0x180: {  	s23 =	simm.s32 $0xAC00  }
0x181: {  	[tilespmem:s23], [sflag:$0x2] =	stream.indirect_vreg.gather [hbm4b:s5+s3], $0x80, v3, vm0, $0xb8;
	[tilespmem:$0x18400] =	vst v63  }
0x182: {  	s24 =	simm.s32 $0xB400  }
0x183: {  	[tilespmem:s24], [sflag:$0x2] =	stream.indirect_vreg.gather [hbm4b:s6+s3], $0x80, v3, vm0, $0xb8;
	[tilespmem:$0x18400] =	vst v63  }
0x184: {  	s2 =	simm.s32 $0xBC00  }
0x185: {  	[tilespmem:s2], [sflag:$0x2] =	stream.indirect_vreg.gather [hbm4b:s7+s3], $0x80, v3, vm0, $0xb8;
	[tilespmem:$0x18400] =	vst v63  }
0x186: {  	v3 =	vld [tilespmem:$0x3F0];
	_ =	sdelay $0x4  }
0x187: {  	v63 =	vshll.u32 v3, $0x3  }
0x188: {  	v3 =	vand.u32 $0x7, v3;
	v4 =	vand.u32 $0xFFFFFFC0, v63  }
0x189: {  	v3 =	vor.u32 v3, v4  }
0x18a: {  	v4 =	vperm.xlane v3, v0;
	_ =	sdelay $0x1  }
0x18b: {  	v4 =	vadd.s32 v1, v4;
	_ =	sdelay $0x3  }
0x18c: {  	s9 =	simm.s32 $0xC400  }
0x18d: {  	[tilespmem:s9], [sflag:$0x2] =	stream.indirect_vreg.gather [hbm4b:s1+s3], $0x80, v4, vm0, $0xb8;
	[tilespmem:$0x18400] =	vst v63  }
0x18e: {  	s10 =	simm.s32 $0xCC00;
	v3 =	vperm.xlane v3, v2  }
0x18f: {  	[tilespmem:s10], [sflag:$0x2] =	stream.indirect_vreg.gather [hbm4b:s5+s3], $0x80, v4, vm0, $0xb8;
	[tilespmem:$0x18400] =	vst v63  }
0x190: {  	s11 =	simm.s32 $0xD400;
	v3 =	vadd.s32 v1, v3  }
0x191: {  	[tilespmem:s11], [sflag:$0x2] =	stream.indirect_vreg.gather [hbm4b:s6+s3], $0x80, v4, vm0, $0xb8;
	[tilespmem:$0x18400] =	vst v63  }
0x192: {  	s15 =	simm.s32 $0xDC00  }
0x193: {  	[tilespmem:s15], [sflag:$0x2] =	stream.indirect_vreg.gather [hbm4b:s7+s3], $0x80, v4, vm0, $0xb8;
	[tilespmem:$0x18400] =	vst v63  }
0x194: {  	s16 =	simm.s32 $0xE400  }
0x195: {  	[tilespmem:s16], [sflag:$0x2] =	stream.indirect_vreg.gather [hbm4b:s1+s3], $0x80, v3, vm0, $0xb8;
	[tilespmem:$0x18400] =	vst v63  }
0x196: {  	s17 =	simm.s32 $0xEC00  }
0x197: {  	[tilespmem:s17], [sflag:$0x2] =	stream.indirect_vreg.gather [hbm4b:s5+s3], $0x80, v3, vm0, $0xb8;
	[tilespmem:$0x18400] =	vst v63  }
0x198: {  	s2 =	simm.s32 $0xF400  }
0x199: {  	[tilespmem:s2], [sflag:$0x2] =	stream.indirect_vreg.gather [hbm4b:s6+s3], $0x80, v3, vm0, $0xb8;
	[tilespmem:$0x18400] =	vst v63  }
0x19a: {  	s18 =	simm.s32 $0xFC00  }
0x19b: {  	[tilespmem:s18], [sflag:$0x2] =	stream.indirect_vreg.gather [hbm4b:s7+s3], $0x80, v3, vm0, $0xb8;
	[tilespmem:$0x18400] =	vst v63  }
0x19c: {  	_ =	swait.ge [sflag:s8], $0x8000  }
0x19d: {  	[sflag:s8] =	ssyncset.done $0x0  }
0x19e: {  	s19 =	rddreg [dreg:$0x8];
	[sflag:s8] =	ssyncadd.s32 $0xFFFF8000  }
0x19f: {  	[hbm4b:s19+s3] =	stream.linear.scatter [tilespmem:s22], [sflag:$0x6], $0x8000, $0x38;
	[tilespmem:$0x18400] =	vst v63  }
0x1a0: {  	_ =	swait.ge [sflag:s12], $0x8000  }
0x1a1: {  	[sflag:s12] =	ssyncset.done $0x0  }
0x1a2: {  	s20 =	rddreg [dreg:$0x9];
	[sflag:s12] =	ssyncadd.s32 $0xFFFF8000  }
0x1a3: {  	[hbm4b:s20+s3] =	stream.linear.scatter [tilespmem:s0], [sflag:$0x4], $0x8000, $0x38;
	[tilespmem:$0x18400] =	vst v63  }
0x1a4: {  	_ =	swait.ge [sflag:s13], $0x8000  }
0x1a5: {  	[sflag:s13] =	ssyncset.done $0x0  }
0x1a6: {  	s21 =	rddreg [dreg:$0xa];
	[sflag:s13] =	ssyncadd.s32 $0xFFFF8000  }
0x1a7: {  	[hbm4b:s21+s3] =	stream.linear.scatter [tilespmem:s4], [sflag:$0x5], $0x8000, $0x38;
	[tilespmem:$0x18400] =	vst v63  }
0x1a8: {  	_ =	swait.ge [sflag:s28], $0x8000  }
0x1a9: {  	[sflag:s28] =	ssyncset.done $0x0  }
0x1aa: {  	[sflag:s28] =	ssyncadd.s32 $0xFFFF8000  }
0x1ab: {  	_ =	swait.ge [sflag:s25], $0x8000  }
0x1ac: {  	[sflag:s25] =	ssyncset.done $0x0  }
0x1ad: {  	[sflag:s25] =	ssyncadd.s32 $0xFFFF8000  }
0x1ae: {  	_ =	swait.ge [sflag:s26], $0x8000  }
0x1af: {  	s23 =	rddreg [dreg:$0xc]  }
0x1b0: {  	s29 =	simm.s32 $0x8400;
	s24 =	rddreg [dreg:$0xb];
	s0 =	sadd.s32 $0x1, s23  }
0x1b1: {  	s9 =	simm.s32 $0x15400;
	s10 =	simm.s32 $0x15C00;
	p0 =	sne.s32 s0, s24  }
.Ltmp1:
0x1b2: {  	s11 =	simm.s32 $0x16C00;
	s15 =	simm.s32 $0x17C00;
	(pc) =	sbr.rel @p0 .LBB2_1-.Ltmp1, $4  }
0x1b3: {  	s16 =	simm.s32 $0x11400;
	s17 =	simm.s32 $0x11C00;
	s2 =	simm.s32 $0x13400  }
0x1b4: {  	s18 =	simm.s32 $0x12400;
	s19 =	simm.s32 $0x12C00;
	s20 =	simm.s32 $0x13C00  }
0x1b5: {  	s4 =	simm.s32 $0x14400;
	s21 =	simm.s32 $0x14C00;
	[sflag:s26] =	ssyncset.done $0x0  }
0x1b6: {  	[sflag:s26] =	ssyncadd.s32 $0xFFFF8000;
	s23 =	simm.s32 $0x16400;
	s24 =	simm.s32 $0x17400  }
0x1b7: {  	_ =	sfence.sel $0x180000  }
0x1b8: {  	[bflag:$0x0] =	sbarrier.arrive $0xFFFF  }
0x1b9: {  	_ =	strace $0x90000047  }
0x1ba: {  	s0 =	stileid.u32;
	[bflag:$0x2] =	sbarrier.arrive $0xFFFF  }
0x1bb: {  	p0 =	sne.s32 s0, $0x0;
	s0 =	rddreg [dreg:$0x3]  }
0x1bc: {  	s0 =	sadd.s32 @!p0 $0x100000, s0  }
0x1bd: {  	[sflag:s0] =	ssyncadd.tile.s32 @!p0 $0x1;
	_ =	shalt  }
.Lfunc_end2:
_tile_overlayer_lowered:
.L_overlay_start_2:
0x1be: {  	(tag) =	ssettag $0x2  }
0x1bf: {  	s0 =	rddreg [dreg:$0x0];
	s2 =	stileid.u32  }
0x1c0: {  	s1 =	rddreg [dreg:$0x1];
	p0 =	sne.s32 s2, $0x0  }
0x1c1: {  	s3 =	rddreg [dreg:$0x2];
	[bflag:$0x3] =	sbarrier.arrive $0xFFFF;
	s2 =	simm.s32 @!p0 $0x1C07  }
0x1c2: {  	[timem:s3], [sflag:s2] =	dma.local @!p0 [hbm:s0], s1  }
0x1c3: {  	s0 =	simm.s32 @!p0 $0x7  }
0x1c4: {  	_ =	swait.ge @!p0 [sflag:s0], s1  }
0x1c5: {  	s1 =	ssub.s32 @!p0 $0x0, s1;
	[sflag:s0] =	ssyncset.done @!p0 $0x0  }
0x1c6: {  	[sflag:s0] =	ssyncadd.s32 @!p0 s1  }
0x1c7: {  	[bflag:$0x3] =	sbarrier.arrive $0xFFFF  }
0x1c8: {  	_ =	shalt  }

</sc_bundles>
